<compile_context>
chip_gen: v7x
topology: tpu7x:2x2x1
jax: 0.10.2.dev20260603
libtpu: 0.0.44.dev20260713+nightly
codegen_flags: <defaults>
</compile_context>

<pallas_src>
import functools

import jax
import jax.numpy as jnp
from jax import lax
from jax.experimental import pallas as pl
from jax.experimental.pallas import tpu as pltpu
from jax.experimental.pallas import tpu_sc as plsc

F = 26
V = 100000
D = 16
B = 4096

NC = 2
NS = 16
NW = NC * NS
R = F * D


def _gather_body(tbl_hbm, idx_hbm, out_hbm, idx_v, rows_v, sem):
    wid = lax.axis_index("s") * NC + lax.axis_index("c")

    @pl.when(wid < F)
    def _():
        f = wid
        pltpu.sync_copy(idx_hbm.at[f], idx_v)
        copies = []
        for s in range(D):
            copies.append(
                pltpu.async_copy(tbl_hbm.at[f * D + s].at[idx_v],
                                 rows_v.at[s], sem))
        for c in copies:
            c.wait()
        pltpu.sync_copy(rows_v, out_hbm.at[f])


@functools.lru_cache(maxsize=1)
def _gather():
    return functools.partial(
        pl.kernel,
        mesh=plsc.VectorSubcoreMesh(core_axis_name="c", subcore_axis_name="s"),
        compiler_params=pltpu.CompilerParams(use_tc_tiling_on_sc=False),
        out_type=jax.ShapeDtypeStruct((F, D, B), jnp.float32),
        scratch_types=[
            pltpu.VMEM((B,), jnp.int32),
            pltpu.VMEM((D, B), jnp.float32),
            pltpu.SemaphoreType.DMA,
        ],
    )(_gather_body)


def _fwfm_body(e_ref, a_ref, w_ref, o_ref):
    a = a_ref[...]
    acc = jnp.zeros((1, B), jnp.float32)
    for d in range(D):
        e = e_ref[:, d, :]
        p = jnp.dot(a, e, preferred_element_type=jnp.float32)
        y = e * (p + w_ref[:, d][:, None])
        acc = acc + jnp.sum(y, axis=0, keepdims=True)
    o_ref[...] = jax.nn.sigmoid(acc)


def kernel(x, tables, field_cov, fwfm_linear_w):
    m = jnp.transpose(tables, (0, 2, 1)).reshape(R, V)
    xt = x.T.astype(jnp.int32)

    et = _gather()(m, xt)

    sym = (field_cov + field_cov.T) * 0.5
    a_half = 0.5 * (sym - jnp.diag(jnp.diag(sym)))

    out2 = pl.pallas_call(
        _fwfm_body,
        in_specs=[
            pl.BlockSpec((F, D, B), lambda: (0, 0, 0)),
            pl.BlockSpec((F, F), lambda: (0, 0)),
            pl.BlockSpec((F, D), lambda: (0, 0)),
        ],
        out_specs=pl.BlockSpec((1, B), lambda: (0, 0)),
        out_shape=jax.ShapeDtypeStruct((1, B), jnp.float32),
    )(et, a_half, fwfm_linear_w)
    return out2.reshape(B)

# --- scband reference (transcript-rebuilt; emitter-appended) ---
"""Pipeline reference for scband-field-weighted-factorization-machine-model-74783970558604 (READ-ONLY COPY).

The authoritative reference and input builder live on the scoring server;
editing this copy changes nothing except your own understanding.
"""

import jax, jax.numpy as jnp
import numpy as np

NUM_FIELDS = 26
VOCAB = 100000
EMBED_DIM = 16
BATCH = 4096


def setup_inputs(seed: int = 0) -> dict:
    key = jax.random.key(seed)
    k1, k2, k3, k4 = jax.random.split(key, 4)
    x = jax.random.randint(k1, (BATCH, NUM_FIELDS), 0, VOCAB)
    # All field embedding tables have the same vocab here, so stack them: (F, V, D)
    tables = jax.random.normal(k2, (NUM_FIELDS, VOCAB, EMBED_DIM), dtype=jnp.float32) * 0.01
    # field_cov: weight of nn.Linear(num_fields, num_fields, bias=False) inside FwFM
    field_cov = jax.random.normal(k3, (NUM_FIELDS, NUM_FIELDS), dtype=jnp.float32) * 0.1
    # fwfm_linear_w: weight of nn.Linear(embed_dim, num_fields, bias=False) -> (F, D)
    fwfm_linear_w = jax.random.normal(k4, (NUM_FIELDS, EMBED_DIM), dtype=jnp.float32) * 0.1
    return {"x": x, "tables": tables, "field_cov": field_cov, "fwfm_linear_w": fwfm_linear_w}


def reference(x, tables, field_cov, fwfm_linear_w):
    # embed_x[i] = embeddings[i](x[:, i]) ; stacked -> (F, B, D)
    emb = jax.vmap(lambda t, idx: jnp.take(t, idx, axis=0))(tables, x.T)
    # FieldWeightedFactorizationMachine forward on stacked embeddings:
    # outer product across fields: (F, F, B, D)
    outer_fm = jnp.einsum('kib,lib->klib', emb, emb)
    # symmetrized field-pair weights
    sym = (field_cov + field_cov.T) * 0.5
    outer_fwfm = jnp.einsum('klib,kl->klib', outer_fm, sym)
    full = jnp.sum(jnp.sum(outer_fwfm, axis=0), axis=0)           # (B, D)
    diag = jnp.sum(jnp.einsum('kkib->kib', outer_fwfm), axis=0)   # (B, D)
    second = (full - diag) * 0.5                                   # (B, D)
    fwfm_second_order = jnp.sum(second, axis=1, keepdims=True)     # (B, 1)
    # use_fwlw branch: field-weighted linear (first-order) term
    fwfm_linear = jnp.einsum('ijk,ik->ijk', emb, fwfm_linear_w)    # (F, B, D)
    fwfm_first_order = jnp.sum(jnp.einsum('ijk->ji', fwfm_linear), axis=1, keepdims=True)  # (B, 1)
    out = fwfm_first_order + fwfm_second_order
    return jax.nn.sigmoid(jnp.squeeze(out, axis=1))

if __name__ == "__main__":
    import jax
    _d = setup_inputs()
    print(jax.jit(kernel)(*tuple(_d.values())))

</pallas_src>

<mosaic_0001>
#map = affine_map<(d0, d1) -> (0, 0)>
#map1 = affine_map<(d0, d1) -> (0, 0, 0)>
module attributes {stable_mosaic.version = 14 : i64} {
  func.func @_gather_body(%arg0: i32, %arg1: i32, %arg2: memref<416x100000xf32, #tpu.memory_space<hbm>>, %arg3: memref<26x4096xi32, #tpu.memory_space<hbm>>, %arg4: memref<26x16x4096xf32, #tpu.memory_space<hbm>>, %arg5: memref<4096xi32, #tpu.memory_space<vmem>>, %arg6: memref<16x4096xf32, #tpu.memory_space<vmem>>, %arg7: memref<!tpu.dma_semaphore, #tpu.memory_space<semaphore_mem>>) attributes {dimension_semantics = [#tpu.dimension_semantics<core_parallel>, #tpu.dimension_semantics<subcore_parallel>], iteration_bounds = array<i64: 2, 16>, scalar_prefetch = 0 : i64, scratch_operands = 3 : i64, tpu.core_type = #tpu.core_type<sc_vector_subcore>, window_params = [{transform_indices = #map}, {transform_indices = #map}, {transform_indices = #map1}]} {
    %mul3A = arith.constant 2 : i32
    %mul3A_0 = arith.muli %arg1, %mul3A : i32
    %add3A = arith.addi %mul3A_0, %arg0 : i32
    %lt3A = arith.constant 26 : i32
    %lt3A_1 = arith.cmpi slt, %add3A, %lt3A : i32
    %convert_element_type3A = arith.extui %lt3A_1 : i1 to i32
    %cond3A = arith.constant 0 : i32
    %cond3A_2 = arith.cmpi ne, %convert_element_type3A, %cond3A : i32
    scf.if %cond3A_2 {
      "tpu.region"() ({
        %run_scoped3A = tpu.sem_alloc : memref<!tpu.dma_semaphore, #tpu.memory_space<semaphore_mem>>
        %dma_start3A_353 = arith.constant 0 : i32
        %dma_start3A_354 = tpu.memref_slice %arg3[%add3A, %dma_start3A_353] : memref<26x4096xi32, #tpu.memory_space<hbm>> -> memref<1x4096xi32, #tpu.memory_space<hbm>>
        %dma_start3A_355 = tpu.memref_squeeze %dma_start3A_354 : memref<1x4096xi32, #tpu.memory_space<hbm>> -> memref<4096xi32, #tpu.memory_space<hbm>>
        %dma_start3A_356 = arith.constant 0 : i32
        %dma_start3A_357 = tpu.memref_slice %arg3[%add3A, %dma_start3A_356] : memref<26x4096xi32, #tpu.memory_space<hbm>> -> memref<1x4096xi32, #tpu.memory_space<hbm>>
        %dma_start3A_358 = tpu.memref_squeeze %dma_start3A_357 : memref<1x4096xi32, #tpu.memory_space<hbm>> -> memref<4096xi32, #tpu.memory_space<hbm>>
        tpu.enqueue_dma source(%dma_start3A_358 : memref<4096xi32, #tpu.memory_space<hbm>>) target(%arg5 : memref<4096xi32, #tpu.memory_space<vmem>>) target_semaphore(%run_scoped3A : memref<!tpu.dma_semaphore, #tpu.memory_space<semaphore_mem>>)
        %dma_wait3A_359 = arith.constant 0 : i32
        %dma_wait3A_360 = tpu.memref_slice %arg3[%add3A, %dma_wait3A_359] : memref<26x4096xi32, #tpu.memory_space<hbm>> -> memref<1x4096xi32, #tpu.memory_space<hbm>>
        %dma_wait3A_361 = tpu.memref_squeeze %dma_wait3A_360 : memref<1x4096xi32, #tpu.memory_space<hbm>> -> memref<4096xi32, #tpu.memory_space<hbm>>
        %dma_wait3A_362 = arith.constant 0 : i32
        %dma_wait3A_363 = tpu.memref_slice %arg3[%add3A, %dma_wait3A_362] : memref<26x4096xi32, #tpu.memory_space<hbm>> -> memref<1x4096xi32, #tpu.memory_space<hbm>>
        %dma_wait3A_364 = tpu.memref_squeeze %dma_wait3A_363 : memref<1x4096xi32, #tpu.memory_space<hbm>> -> memref<4096xi32, #tpu.memory_space<hbm>>
        tpu.wait_dma2 semaphore(%run_scoped3A : memref<!tpu.dma_semaphore, #tpu.memory_space<semaphore_mem>>) src(%dma_wait3A_364 : memref<4096xi32, #tpu.memory_space<hbm>>) dst(%arg5 : memref<4096xi32, #tpu.memory_space<vmem>>)
        tpu.yield
      }) : () -> ()
      %mul3A_3 = arith.constant 16 : i32
      %mul3A_4 = arith.muli %add3A, %mul3A_3 : i32
      %add3A_5 = arith.constant 0 : i32
      %add3A_6 = arith.addi %mul3A_4, %add3A_5 : i32
      %dma_start3A = arith.constant 0 : i32
      %dma_start3A_7 = arith.constant 0 : i32
      %dma_start3A_8 = tpu.memref_slice %arg6[%dma_start3A, %dma_start3A_7] : memref<16x4096xf32, #tpu.memory_space<vmem>> -> memref<1x4096xf32, #tpu.memory_space<vmem>>
      %dma_start3A_9 = tpu.memref_squeeze %dma_start3A_8 : memref<1x4096xf32, #tpu.memory_space<vmem>> -> memref<4096xf32, #tpu.memory_space<vmem>>
      %dma_start3A_10 = arith.constant 0 : i32
      %dma_start3A_11 = tpu.memref_slice %arg2[%add3A_6, %dma_start3A_10] : memref<416x100000xf32, #tpu.memory_space<hbm>> -> memref<1x100000xf32, #tpu.memory_space<hbm>>
      %dma_start3A_12 = tpu.memref_squeeze %dma_start3A_11 : memref<1x100000xf32, #tpu.memory_space<hbm>> -> memref<100000xf32, #tpu.memory_space<hbm>>
      %dma_start3A_13 = arith.constant 0 : i32
      %dma_start3A_14 = tpu.memref_slice %dma_start3A_12[%dma_start3A_13] : memref<100000xf32, #tpu.memory_space<hbm>> -> memref<100000xf32, #tpu.memory_space<hbm>>
      tpu.enqueue_indirect_dma source(%dma_start3A_14 : memref<100000xf32, #tpu.memory_space<hbm>>) target(%dma_start3A_9 : memref<4096xf32, #tpu.memory_space<vmem>>) offsets(%arg5 : memref<4096xi32, #tpu.memory_space<vmem>>) semaphore(%arg7 : memref<!tpu.dma_semaphore, #tpu.memory_space<semaphore_mem>>)
      %mul3A_15 = arith.constant 16 : i32
      %mul3A_16 = arith.muli %add3A, %mul3A_15 : i32
      %add3A_17 = arith.constant 1 : i32
      %add3A_18 = arith.addi %mul3A_16, %add3A_17 : i32
      %dma_start3A_19 = arith.constant 1 : i32
      %dma_start3A_20 = arith.constant 0 : i32
      %dma_start3A_21 = tpu.memref_slice %arg6[%dma_start3A_19, %dma_start3A_20] : memref<16x4096xf32, #tpu.memory_space<vmem>> -> memref<1x4096xf32, #tpu.memory_space<vmem>>
      %dma_start3A_22 = tpu.memref_squeeze %dma_start3A_21 : memref<1x4096xf32, #tpu.memory_space<vmem>> -> memref<4096xf32, #tpu.memory_space<vmem>>
      %dma_start3A_23 = arith.constant 0 : i32
      %dma_start3A_24 = tpu.memref_slice %arg2[%add3A_18, %dma_start3A_23] : memref<416x100000xf32, #tpu.memory_space<hbm>> -> memref<1x100000xf32, #tpu.memory_space<hbm>>
      %dma_start3A_25 = tpu.memref_squeeze %dma_start3A_24 : memref<1x100000xf32, #tpu.memory_space<hbm>> -> memref<100000xf32, #tpu.memory_space<hbm>>
      %dma_start3A_26 = arith.constant 0 : i32
      %dma_start3A_27 = tpu.memref_slice %dma_start3A_25[%dma_start3A_26] : memref<100000xf32, #tpu.memory_space<hbm>> -> memref<100000xf32, #tpu.memory_space<hbm>>
      tpu.enqueue_indirect_dma source(%dma_start3A_27 : memref<100000xf32, #tpu.memory_space<hbm>>) target(%dma_start3A_22 : memref<4096xf32, #tpu.memory_space<vmem>>) offsets(%arg5 : memref<4096xi32, #tpu.memory_space<vmem>>) semaphore(%arg7 : memref<!tpu.dma_semaphore, #tpu.memory_space<semaphore_mem>>)
      %mul3A_28 = arith.constant 16 : i32
      %mul3A_29 = arith.muli %add3A, %mul3A_28 : i32
      %add3A_30 = arith.constant 2 : i32
      %add3A_31 = arith.addi %mul3A_29, %add3A_30 : i32
      %dma_start3A_32 = arith.constant 2 : i32
      %dma_start3A_33 = arith.constant 0 : i32
      %dma_start3A_34 = tpu.memref_slice %arg6[%dma_start3A_32, %dma_start3A_33] : memref<16x4096xf32, #tpu.memory_space<vmem>> -> memref<1x4096xf32, #tpu.memory_space<vmem>>
      %dma_start3A_35 = tpu.memref_squeeze %dma_start3A_34 : memref<1x4096xf32, #tpu.memory_space<vmem>> -> memref<4096xf32, #tpu.memory_space<vmem>>
      %dma_start3A_36 = arith.constant 0 : i32
      %dma_start3A_37 = tpu.memref_slice %arg2[%add3A_31, %dma_start3A_36] : memref<416x100000xf32, #tpu.memory_space<hbm>> -> memref<1x100000xf32, #tpu.memory_space<hbm>>
      %dma_start3A_38 = tpu.memref_squeeze %dma_start3A_37 : memref<1x100000xf32, #tpu.memory_space<hbm>> -> memref<100000xf32, #tpu.memory_space<hbm>>
      %dma_start3A_39 = arith.constant 0 : i32
      %dma_start3A_40 = tpu.memref_slice %dma_start3A_38[%dma_start3A_39] : memref<100000xf32, #tpu.memory_space<hbm>> -> memref<100000xf32, #tpu.memory_space<hbm>>
      tpu.enqueue_indirect_dma source(%dma_start3A_40 : memref<100000xf32, #tpu.memory_space<hbm>>) target(%dma_start3A_35 : memref<4096xf32, #tpu.memory_space<vmem>>) offsets(%arg5 : memref<4096xi32, #tpu.memory_space<vmem>>) semaphore(%arg7 : memref<!tpu.dma_semaphore, #tpu.memory_space<semaphore_mem>>)
      %mul3A_41 = arith.constant 16 : i32
      %mul3A_42 = arith.muli %add3A, %mul3A_41 : i32
      %add3A_43 = arith.constant 3 : i32
      %add3A_44 = arith.addi %mul3A_42, %add3A_43 : i32
      %dma_start3A_45 = arith.constant 3 : i32
      %dma_start3A_46 = arith.constant 0 : i32
      %dma_start3A_47 = tpu.memref_slice %arg6[%dma_start3A_45, %dma_start3A_46] : memref<16x4096xf32, #tpu.memory_space<vmem>> -> memref<1x4096xf32, #tpu.memory_space<vmem>>
      %dma_start3A_48 = tpu.memref_squeeze %dma_start3A_47 : memref<1x4096xf32, #tpu.memory_space<vmem>> -> memref<4096xf32, #tpu.memory_space<vmem>>
      %dma_start3A_49 = arith.constant 0 : i32
      %dma_start3A_50 = tpu.memref_slice %arg2[%add3A_44, %dma_start3A_49] : memref<416x100000xf32, #tpu.memory_space<hbm>> -> memref<1x100000xf32, #tpu.memory_space<hbm>>
      %dma_start3A_51 = tpu.memref_squeeze %dma_start3A_50 : memref<1x100000xf32, #tpu.memory_space<hbm>> -> memref<100000xf32, #tpu.memory_space<hbm>>
      %dma_start3A_52 = arith.constant 0 : i32
      %dma_start3A_53 = tpu.memref_slice %dma_start3A_51[%dma_start3A_52] : memref<100000xf32, #tpu.memory_space<hbm>> -> memref<100000xf32, #tpu.memory_space<hbm>>
      tpu.enqueue_indirect_dma source(%dma_start3A_53 : memref<100000xf32, #tpu.memory_space<hbm>>) target(%dma_start3A_48 : memref<4096xf32, #tpu.memory_space<vmem>>) offsets(%arg5 : memref<4096xi32, #tpu.memory_space<vmem>>) semaphore(%arg7 : memref<!tpu.dma_semaphore, #tpu.memory_space<semaphore_mem>>)
      %mul3A_54 = arith.constant 16 : i32
      %mul3A_55 = arith.muli %add3A, %mul3A_54 : i32
      %add3A_56 = arith.constant 4 : i32
      %add3A_57 = arith.addi %mul3A_55, %add3A_56 : i32
      %dma_start3A_58 = arith.constant 4 : i32
      %dma_start3A_59 = arith.constant 0 : i32
      %dma_start3A_60 = tpu.memref_slice %arg6[%dma_start3A_58, %dma_start3A_59] : memref<16x4096xf32, #tpu.memory_space<vmem>> -> memref<1x4096xf32, #tpu.memory_space<vmem>>
      %dma_start3A_61 = tpu.memref_squeeze %dma_start3A_60 : memref<1x4096xf32, #tpu.memory_space<vmem>> -> memref<4096xf32, #tpu.memory_space<vmem>>
      %dma_start3A_62 = arith.constant 0 : i32
      %dma_start3A_63 = tpu.memref_slice %arg2[%add3A_57, %dma_start3A_62] : memref<416x100000xf32, #tpu.memory_space<hbm>> -> memref<1x100000xf32, #tpu.memory_space<hbm>>
      %dma_start3A_64 = tpu.memref_squeeze %dma_start3A_63 : memref<1x100000xf32, #tpu.memory_space<hbm>> -> memref<100000xf32, #tpu.memory_space<hbm>>
      %dma_start3A_65 = arith.constant 0 : i32
      %dma_start3A_66 = tpu.memref_slice %dma_start3A_64[%dma_start3A_65] : memref<100000xf32, #tpu.memory_space<hbm>> -> memref<100000xf32, #tpu.memory_space<hbm>>
      tpu.enqueue_indirect_dma source(%dma_start3A_66 : memref<100000xf32, #tpu.memory_space<hbm>>) target(%dma_start3A_61 : memref<4096xf32, #tpu.memory_space<vmem>>) offsets(%arg5 : memref<4096xi32, #tpu.memory_space<vmem>>) semaphore(%arg7 : memref<!tpu.dma_semaphore, #tpu.memory_space<semaphore_mem>>)
      %mul3A_67 = arith.constant 16 : i32
      %mul3A_68 = arith.muli %add3A, %mul3A_67 : i32
      %add3A_69 = arith.constant 5 : i32
      %add3A_70 = arith.addi %mul3A_68, %add3A_69 : i32
      %dma_start3A_71 = arith.constant 5 : i32
      %dma_start3A_72 = arith.constant 0 : i32
      %dma_start3A_73 = tpu.memref_slice %arg6[%dma_start3A_71, %dma_start3A_72] : memref<16x4096xf32, #tpu.memory_space<vmem>> -> memref<1x4096xf32, #tpu.memory_space<vmem>>
      %dma_start3A_74 = tpu.memref_squeeze %dma_start3A_73 : memref<1x4096xf32, #tpu.memory_space<vmem>> -> memref<4096xf32, #tpu.memory_space<vmem>>
      %dma_start3A_75 = arith.constant 0 : i32
      %dma_start3A_76 = tpu.memref_slice %arg2[%add3A_70, %dma_start3A_75] : memref<416x100000xf32, #tpu.memory_space<hbm>> -> memref<1x100000xf32, #tpu.memory_space<hbm>>
      %dma_start3A_77 = tpu.memref_squeeze %dma_start3A_76 : memref<1x100000xf32, #tpu.memory_space<hbm>> -> memref<100000xf32, #tpu.memory_space<hbm>>
      %dma_start3A_78 = arith.constant 0 : i32
      %dma_start3A_79 = tpu.memref_slice %dma_start3A_77[%dma_start3A_78] : memref<100000xf32, #tpu.memory_space<hbm>> -> memref<100000xf32, #tpu.memory_space<hbm>>
      tpu.enqueue_indirect_dma source(%dma_start3A_79 : memref<100000xf32, #tpu.memory_space<hbm>>) target(%dma_start3A_74 : memref<4096xf32, #tpu.memory_space<vmem>>) offsets(%arg5 : memref<4096xi32, #tpu.memory_space<vmem>>) semaphore(%arg7 : memref<!tpu.dma_semaphore, #tpu.memory_space<semaphore_mem>>)
      %mul3A_80 = arith.constant 16 : i32
      %mul3A_81 = arith.muli %add3A, %mul3A_80 : i32
      %add3A_82 = arith.constant 6 : i32
      %add3A_83 = arith.addi %mul3A_81, %add3A_82 : i32
      %dma_start3A_84 = arith.constant 6 : i32
      %dma_start3A_85 = arith.constant 0 : i32
      %dma_start3A_86 = tpu.memref_slice %arg6[%dma_start3A_84, %dma_start3A_85] : memref<16x4096xf32, #tpu.memory_space<vmem>> -> memref<1x4096xf32, #tpu.memory_space<vmem>>
      %dma_start3A_87 = tpu.memref_squeeze %dma_start3A_86 : memref<1x4096xf32, #tpu.memory_space<vmem>> -> memref<4096xf32, #tpu.memory_space<vmem>>
      %dma_start3A_88 = arith.constant 0 : i32
      %dma_start3A_89 = tpu.memref_slice %arg2[%add3A_83, %dma_start3A_88] : memref<416x100000xf32, #tpu.memory_space<hbm>> -> memref<1x100000xf32, #tpu.memory_space<hbm>>
      %dma_start3A_90 = tpu.memref_squeeze %dma_start3A_89 : memref<1x100000xf32, #tpu.memory_space<hbm>> -> memref<100000xf32, #tpu.memory_space<hbm>>
      %dma_start3A_91 = arith.constant 0 : i32
      %dma_start3A_92 = tpu.memref_slice %dma_start3A_90[%dma_start3A_91] : memref<100000xf32, #tpu.memory_space<hbm>> -> memref<100000xf32, #tpu.memory_space<hbm>>
      tpu.enqueue_indirect_dma source(%dma_start3A_92 : memref<100000xf32, #tpu.memory_space<hbm>>) target(%dma_start3A_87 : memref<4096xf32, #tpu.memory_space<vmem>>) offsets(%arg5 : memref<4096xi32, #tpu.memory_space<vmem>>) semaphore(%arg7 : memref<!tpu.dma_semaphore, #tpu.memory_space<semaphore_mem>>)
      %mul3A_93 = arith.constant 16 : i32
      %mul3A_94 = arith.muli %add3A, %mul3A_93 : i32
      %add3A_95 = arith.constant 7 : i32
      %add3A_96 = arith.addi %mul3A_94, %add3A_95 : i32
      %dma_start3A_97 = arith.constant 7 : i32
      %dma_start3A_98 = arith.constant 0 : i32
      %dma_start3A_99 = tpu.memref_slice %arg6[%dma_start3A_97, %dma_start3A_98] : memref<16x4096xf32, #tpu.memory_space<vmem>> -> memref<1x4096xf32, #tpu.memory_space<vmem>>
      %dma_start3A_100 = tpu.memref_squeeze %dma_start3A_99 : memref<1x4096xf32, #tpu.memory_space<vmem>> -> memref<4096xf32, #tpu.memory_space<vmem>>
      %dma_start3A_101 = arith.constant 0 : i32
      %dma_start3A_102 = tpu.memref_slice %arg2[%add3A_96, %dma_start3A_101] : memref<416x100000xf32, #tpu.memory_space<hbm>> -> memref<1x100000xf32, #tpu.memory_space<hbm>>
      %dma_start3A_103 = tpu.memref_squeeze %dma_start3A_102 : memref<1x100000xf32, #tpu.memory_space<hbm>> -> memref<100000xf32, #tpu.memory_space<hbm>>
      %dma_start3A_104 = arith.constant 0 : i32
      %dma_start3A_105 = tpu.memref_slice %dma_start3A_103[%dma_start3A_104] : memref<100000xf32, #tpu.memory_space<hbm>> -> memref<100000xf32, #tpu.memory_space<hbm>>
      tpu.enqueue_indirect_dma source(%dma_start3A_105 : memref<100000xf32, #tpu.memory_space<hbm>>) target(%dma_start3A_100 : memref<4096xf32, #tpu.memory_space<vmem>>) offsets(%arg5 : memref<4096xi32, #tpu.memory_space<vmem>>) semaphore(%arg7 : memref<!tpu.dma_semaphore, #tpu.memory_space<semaphore_mem>>)
      %mul3A_106 = arith.constant 16 : i32
      %mul3A_107 = arith.muli %add3A, %mul3A_106 : i32
      %add3A_108 = arith.constant 8 : i32
      %add3A_109 = arith.addi %mul3A_107, %add3A_108 : i32
      %dma_start3A_110 = arith.constant 8 : i32
      %dma_start3A_111 = arith.constant 0 : i32
      %dma_start3A_112 = tpu.memref_slice %arg6[%dma_start3A_110, %dma_start3A_111] : memref<16x4096xf32, #tpu.memory_space<vmem>> -> memref<1x4096xf32, #tpu.memory_space<vmem>>
      %dma_start3A_113 = tpu.memref_squeeze %dma_start3A_112 : memref<1x4096xf32, #tpu.memory_space<vmem>> -> memref<4096xf32, #tpu.memory_space<vmem>>
      %dma_start3A_114 = arith.constant 0 : i32
      %dma_start3A_115 = tpu.memref_slice %arg2[%add3A_109, %dma_start3A_114] : memref<416x100000xf32, #tpu.memory_space<hbm>> -> memref<1x100000xf32, #tpu.memory_space<hbm>>
      %dma_start3A_116 = tpu.memref_squeeze %dma_start3A_115 : memref<1x100000xf32, #tpu.memory_space<hbm>> -> memref<100000xf32, #tpu.memory_space<hbm>>
      %dma_start3A_117 = arith.constant 0 : i32
      %dma_start3A_118 = tpu.memref_slice %dma_start3A_116[%dma_start3A_117] : memref<100000xf32, #tpu.memory_space<hbm>> -> memref<100000xf32, #tpu.memory_space<hbm>>
      tpu.enqueue_indirect_dma source(%dma_start3A_118 : memref<100000xf32, #tpu.memory_space<hbm>>) target(%dma_start3A_113 : memref<4096xf32, #tpu.memory_space<vmem>>) offsets(%arg5 : memref<4096xi32, #tpu.memory_space<vmem>>) semaphore(%arg7 : memref<!tpu.dma_semaphore, #tpu.memory_space<semaphore_mem>>)
      %mul3A_119 = arith.constant 16 : i32
      %mul3A_120 = arith.muli %add3A, %mul3A_119 : i32
      %add3A_121 = arith.constant 9 : i32
      %add3A_122 = arith.addi %mul3A_120, %add3A_121 : i32
      %dma_start3A_123 = arith.constant 9 : i32
      %dma_start3A_124 = arith.constant 0 : i32
      %dma_start3A_125 = tpu.memref_slice %arg6[%dma_start3A_123, %dma_start3A_124] : memref<16x4096xf32, #tpu.memory_space<vmem>> -> memref<1x4096xf32, #tpu.memory_space<vmem>>
      %dma_start3A_126 = tpu.memref_squeeze %dma_start3A_125 : memref<1x4096xf32, #tpu.memory_space<vmem>> -> memref<4096xf32, #tpu.memory_space<vmem>>
      %dma_start3A_127 = arith.constant 0 : i32
      %dma_start3A_128 = tpu.memref_slice %arg2[%add3A_122, %dma_start3A_127] : memref<416x100000xf32, #tpu.memory_space<hbm>> -> memref<1x100000xf32, #tpu.memory_space<hbm>>
      %dma_start3A_129 = tpu.memref_squeeze %dma_start3A_128 : memref<1x100000xf32, #tpu.memory_space<hbm>> -> memref<100000xf32, #tpu.memory_space<hbm>>
      %dma_start3A_130 = arith.constant 0 : i32
      %dma_start3A_131 = tpu.memref_slice %dma_start3A_129[%dma_start3A_130] : memref<100000xf32, #tpu.memory_space<hbm>> -> memref<100000xf32, #tpu.memory_space<hbm>>
      tpu.enqueue_indirect_dma source(%dma_start3A_131 : memref<100000xf32, #tpu.memory_space<hbm>>) target(%dma_start3A_126 : memref<4096xf32, #tpu.memory_space<vmem>>) offsets(%arg5 : memref<4096xi32, #tpu.memory_space<vmem>>) semaphore(%arg7 : memref<!tpu.dma_semaphore, #tpu.memory_space<semaphore_mem>>)
      %mul3A_132 = arith.constant 16 : i32
      %mul3A_133 = arith.muli %add3A, %mul3A_132 : i32
      %add3A_134 = arith.constant 10 : i32
      %add3A_135 = arith.addi %mul3A_133, %add3A_134 : i32
      %dma_start3A_136 = arith.constant 10 : i32
      %dma_start3A_137 = arith.constant 0 : i32
      %dma_start3A_138 = tpu.memref_slice %arg6[%dma_start3A_136, %dma_start3A_137] : memref<16x4096xf32, #tpu.memory_space<vmem>> -> memref<1x4096xf32, #tpu.memory_space<vmem>>
      %dma_start3A_139 = tpu.memref_squeeze %dma_start3A_138 : memref<1x4096xf32, #tpu.memory_space<vmem>> -> memref<4096xf32, #tpu.memory_space<vmem>>
      %dma_start3A_140 = arith.constant 0 : i32
      %dma_start3A_141 = tpu.memref_slice %arg2[%add3A_135, %dma_start3A_140] : memref<416x100000xf32, #tpu.memory_space<hbm>> -> memref<1x100000xf32, #tpu.memory_space<hbm>>
      %dma_start3A_142 = tpu.memref_squeeze %dma_start3A_141 : memref<1x100000xf32, #tpu.memory_space<hbm>> -> memref<100000xf32, #tpu.memory_space<hbm>>
      %dma_start3A_143 = arith.constant 0 : i32
      %dma_start3A_144 = tpu.memref_slice %dma_start3A_142[%dma_start3A_143] : memref<100000xf32, #tpu.memory_space<hbm>> -> memref<100000xf32, #tpu.memory_space<hbm>>
      tpu.enqueue_indirect_dma source(%dma_start3A_144 : memref<100000xf32, #tpu.memory_space<hbm>>) target(%dma_start3A_139 : memref<4096xf32, #tpu.memory_space<vmem>>) offsets(%arg5 : memref<4096xi32, #tpu.memory_space<vmem>>) semaphore(%arg7 : memref<!tpu.dma_semaphore, #tpu.memory_space<semaphore_mem>>)
      %mul3A_145 = arith.constant 16 : i32
      %mul3A_146 = arith.muli %add3A, %mul3A_145 : i32
      %add3A_147 = arith.constant 11 : i32
      %add3A_148 = arith.addi %mul3A_146, %add3A_147 : i32
      %dma_start3A_149 = arith.constant 11 : i32
      %dma_start3A_150 = arith.constant 0 : i32
      %dma_start3A_151 = tpu.memref_slice %arg6[%dma_start3A_149, %dma_start3A_150] : memref<16x4096xf32, #tpu.memory_space<vmem>> -> memref<1x4096xf32, #tpu.memory_space<vmem>>
      %dma_start3A_152 = tpu.memref_squeeze %dma_start3A_151 : memref<1x4096xf32, #tpu.memory_space<vmem>> -> memref<4096xf32, #tpu.memory_space<vmem>>
      %dma_start3A_153 = arith.constant 0 : i32
      %dma_start3A_154 = tpu.memref_slice %arg2[%add3A_148, %dma_start3A_153] : memref<416x100000xf32, #tpu.memory_space<hbm>> -> memref<1x100000xf32, #tpu.memory_space<hbm>>
      %dma_start3A_155 = tpu.memref_squeeze %dma_start3A_154 : memref<1x100000xf32, #tpu.memory_space<hbm>> -> memref<100000xf32, #tpu.memory_space<hbm>>
      %dma_start3A_156 = arith.constant 0 : i32
      %dma_start3A_157 = tpu.memref_slice %dma_start3A_155[%dma_start3A_156] : memref<100000xf32, #tpu.memory_space<hbm>> -> memref<100000xf32, #tpu.memory_space<hbm>>
      tpu.enqueue_indirect_dma source(%dma_start3A_157 : memref<100000xf32, #tpu.memory_space<hbm>>) target(%dma_start3A_152 : memref<4096xf32, #tpu.memory_space<vmem>>) offsets(%arg5 : memref<4096xi32, #tpu.memory_space<vmem>>) semaphore(%arg7 : memref<!tpu.dma_semaphore, #tpu.memory_space<semaphore_mem>>)
      %mul3A_158 = arith.constant 16 : i32
      %mul3A_159 = arith.muli %add3A, %mul3A_158 : i32
      %add3A_160 = arith.constant 12 : i32
      %add3A_161 = arith.addi %mul3A_159, %add3A_160 : i32
      %dma_start3A_162 = arith.constant 12 : i32
      %dma_start3A_163 = arith.constant 0 : i32
      %dma_start3A_164 = tpu.memref_slice %arg6[%dma_start3A_162, %dma_start3A_163] : memref<16x4096xf32, #tpu.memory_space<vmem>> -> memref<1x4096xf32, #tpu.memory_space<vmem>>
      %dma_start3A_165 = tpu.memref_squeeze %dma_start3A_164 : memref<1x4096xf32, #tpu.memory_space<vmem>> -> memref<4096xf32, #tpu.memory_space<vmem>>
      %dma_start3A_166 = arith.constant 0 : i32
      %dma_start3A_167 = tpu.memref_slice %arg2[%add3A_161, %dma_start3A_166] : memref<416x100000xf32, #tpu.memory_space<hbm>> -> memref<1x100000xf32, #tpu.memory_space<hbm>>
      %dma_start3A_168 = tpu.memref_squeeze %dma_start3A_167 : memref<1x100000xf32, #tpu.memory_space<hbm>> -> memref<100000xf32, #tpu.memory_space<hbm>>
      %dma_start3A_169 = arith.constant 0 : i32
      %dma_start3A_170 = tpu.memref_slice %dma_start3A_168[%dma_start3A_169] : memref<100000xf32, #tpu.memory_space<hbm>> -> memref<100000xf32, #tpu.memory_space<hbm>>
      tpu.enqueue_indirect_dma source(%dma_start3A_170 : memref<100000xf32, #tpu.memory_space<hbm>>) target(%dma_start3A_165 : memref<4096xf32, #tpu.memory_space<vmem>>) offsets(%arg5 : memref<4096xi32, #tpu.memory_space<vmem>>) semaphore(%arg7 : memref<!tpu.dma_semaphore, #tpu.memory_space<semaphore_mem>>)
      %mul3A_171 = arith.constant 16 : i32
      %mul3A_172 = arith.muli %add3A, %mul3A_171 : i32
      %add3A_173 = arith.constant 13 : i32
      %add3A_174 = arith.addi %mul3A_172, %add3A_173 : i32
      %dma_start3A_175 = arith.constant 13 : i32
      %dma_start3A_176 = arith.constant 0 : i32
      %dma_start3A_177 = tpu.memref_slice %arg6[%dma_start3A_175, %dma_start3A_176] : memref<16x4096xf32, #tpu.memory_space<vmem>> -> memref<1x4096xf32, #tpu.memory_space<vmem>>
      %dma_start3A_178 = tpu.memref_squeeze %dma_start3A_177 : memref<1x4096xf32, #tpu.memory_space<vmem>> -> memref<4096xf32, #tpu.memory_space<vmem>>
      %dma_start3A_179 = arith.constant 0 : i32
      %dma_start3A_180 = tpu.memref_slice %arg2[%add3A_174, %dma_start3A_179] : memref<416x100000xf32, #tpu.memory_space<hbm>> -> memref<1x100000xf32, #tpu.memory_space<hbm>>
      %dma_start3A_181 = tpu.memref_squeeze %dma_start3A_180 : memref<1x100000xf32, #tpu.memory_space<hbm>> -> memref<100000xf32, #tpu.memory_space<hbm>>
      %dma_start3A_182 = arith.constant 0 : i32
      %dma_start3A_183 = tpu.memref_slice %dma_start3A_181[%dma_start3A_182] : memref<100000xf32, #tpu.memory_space<hbm>> -> memref<100000xf32, #tpu.memory_space<hbm>>
      tpu.enqueue_indirect_dma source(%dma_start3A_183 : memref<100000xf32, #tpu.memory_space<hbm>>) target(%dma_start3A_178 : memref<4096xf32, #tpu.memory_space<vmem>>) offsets(%arg5 : memref<4096xi32, #tpu.memory_space<vmem>>) semaphore(%arg7 : memref<!tpu.dma_semaphore, #tpu.memory_space<semaphore_mem>>)
      %mul3A_184 = arith.constant 16 : i32
      %mul3A_185 = arith.muli %add3A, %mul3A_184 : i32
      %add3A_186 = arith.constant 14 : i32
      %add3A_187 = arith.addi %mul3A_185, %add3A_186 : i32
      %dma_start3A_188 = arith.constant 14 : i32
      %dma_start3A_189 = arith.constant 0 : i32
      %dma_start3A_190 = tpu.memref_slice %arg6[%dma_start3A_188, %dma_start3A_189] : memref<16x4096xf32, #tpu.memory_space<vmem>> -> memref<1x4096xf32, #tpu.memory_space<vmem>>
      %dma_start3A_191 = tpu.memref_squeeze %dma_start3A_190 : memref<1x4096xf32, #tpu.memory_space<vmem>> -> memref<4096xf32, #tpu.memory_space<vmem>>
      %dma_start3A_192 = arith.constant 0 : i32
      %dma_start3A_193 = tpu.memref_slice %arg2[%add3A_187, %dma_start3A_192] : memref<416x100000xf32, #tpu.memory_space<hbm>> -> memref<1x100000xf32, #tpu.memory_space<hbm>>
      %dma_start3A_194 = tpu.memref_squeeze %dma_start3A_193 : memref<1x100000xf32, #tpu.memory_space<hbm>> -> memref<100000xf32, #tpu.memory_space<hbm>>
      %dma_start3A_195 = arith.constant 0 : i32
      %dma_start3A_196 = tpu.memref_slice %dma_start3A_194[%dma_start3A_195] : memref<100000xf32, #tpu.memory_space<hbm>> -> memref<100000xf32, #tpu.memory_space<hbm>>
      tpu.enqueue_indirect_dma source(%dma_start3A_196 : memref<100000xf32, #tpu.memory_space<hbm>>) target(%dma_start3A_191 : memref<4096xf32, #tpu.memory_space<vmem>>) offsets(%arg5 : memref<4096xi32, #tpu.memory_space<vmem>>) semaphore(%arg7 : memref<!tpu.dma_semaphore, #tpu.memory_space<semaphore_mem>>)
      %mul3A_197 = arith.constant 16 : i32
      %mul3A_198 = arith.muli %add3A, %mul3A_197 : i32
      %add3A_199 = arith.constant 15 : i32
      %add3A_200 = arith.addi %mul3A_198, %add3A_199 : i32
      %dma_start3A_201 = arith.constant 15 : i32
      %dma_start3A_202 = arith.constant 0 : i32
      %dma_start3A_203 = tpu.memref_slice %arg6[%dma_start3A_201, %dma_start3A_202] : memref<16x4096xf32, #tpu.memory_space<vmem>> -> memref<1x4096xf32, #tpu.memory_space<vmem>>
      %dma_start3A_204 = tpu.memref_squeeze %dma_start3A_203 : memref<1x4096xf32, #tpu.memory_space<vmem>> -> memref<4096xf32, #tpu.memory_space<vmem>>
      %dma_start3A_205 = arith.constant 0 : i32
      %dma_start3A_206 = tpu.memref_slice %arg2[%add3A_200, %dma_start3A_205] : memref<416x100000xf32, #tpu.memory_space<hbm>> -> memref<1x100000xf32, #tpu.memory_space<hbm>>
      %dma_start3A_207 = tpu.memref_squeeze %dma_start3A_206 : memref<1x100000xf32, #tpu.memory_space<hbm>> -> memref<100000xf32, #tpu.memory_space<hbm>>
      %dma_start3A_208 = arith.constant 0 : i32
      %dma_start3A_209 = tpu.memref_slice %dma_start3A_207[%dma_start3A_208] : memref<100000xf32, #tpu.memory_space<hbm>> -> memref<100000xf32, #tpu.memory_space<hbm>>
      tpu.enqueue_indirect_dma source(%dma_start3A_209 : memref<100000xf32, #tpu.memory_space<hbm>>) target(%dma_start3A_204 : memref<4096xf32, #tpu.memory_space<vmem>>) offsets(%arg5 : memref<4096xi32, #tpu.memory_space<vmem>>) semaphore(%arg7 : memref<!tpu.dma_semaphore, #tpu.memory_space<semaphore_mem>>)
      %dma_wait3A = arith.constant 0 : i32
      %dma_wait3A_210 = arith.constant 0 : i32
      %dma_wait3A_211 = tpu.memref_slice %arg6[%dma_wait3A, %dma_wait3A_210] : memref<16x4096xf32, #tpu.memory_space<vmem>> -> memref<1x4096xf32, #tpu.memory_space<vmem>>
      %dma_wait3A_212 = tpu.memref_squeeze %dma_wait3A_211 : memref<1x4096xf32, #tpu.memory_space<vmem>> -> memref<4096xf32, #tpu.memory_space<vmem>>
      %dma_wait3A_213 = arith.constant 0 : i32
      %dma_wait3A_214 = tpu.memref_slice %arg2[%add3A_6, %dma_wait3A_213] : memref<416x100000xf32, #tpu.memory_space<hbm>> -> memref<1x100000xf32, #tpu.memory_space<hbm>>
      %dma_wait3A_215 = tpu.memref_squeeze %dma_wait3A_214 : memref<1x100000xf32, #tpu.memory_space<hbm>> -> memref<100000xf32, #tpu.memory_space<hbm>>
      %dma_wait3A_216 = arith.constant 0 : i32
      %dma_wait3A_217 = tpu.memref_slice %dma_wait3A_215[%dma_wait3A_216] : memref<100000xf32, #tpu.memory_space<hbm>> -> memref<100000xf32, #tpu.memory_space<hbm>>
      tpu.wait_indirect_dma semaphore(%arg7 : memref<!tpu.dma_semaphore, #tpu.memory_space<semaphore_mem>>) src(%dma_wait3A_217 : memref<100000xf32, #tpu.memory_space<hbm>>) dst(%dma_wait3A_212 : memref<4096xf32, #tpu.memory_space<vmem>>)
      %dma_wait3A_218 = arith.constant 1 : i32
      %dma_wait3A_219 = arith.constant 0 : i32
      %dma_wait3A_220 = tpu.memref_slice %arg6[%dma_wait3A_218, %dma_wait3A_219] : memref<16x4096xf32, #tpu.memory_space<vmem>> -> memref<1x4096xf32, #tpu.memory_space<vmem>>
      %dma_wait3A_221 = tpu.memref_squeeze %dma_wait3A_220 : memref<1x4096xf32, #tpu.memory_space<vmem>> -> memref<4096xf32, #tpu.memory_space<vmem>>
      %dma_wait3A_222 = arith.constant 0 : i32
      %dma_wait3A_223 = tpu.memref_slice %arg2[%add3A_18, %dma_wait3A_222] : memref<416x100000xf32, #tpu.memory_space<hbm>> -> memref<1x100000xf32, #tpu.memory_space<hbm>>
      %dma_wait3A_224 = tpu.memref_squeeze %dma_wait3A_223 : memref<1x100000xf32, #tpu.memory_space<hbm>> -> memref<100000xf32, #tpu.memory_space<hbm>>
      %dma_wait3A_225 = arith.constant 0 : i32
      %dma_wait3A_226 = tpu.memref_slice %dma_wait3A_224[%dma_wait3A_225] : memref<100000xf32, #tpu.memory_space<hbm>> -> memref<100000xf32, #tpu.memory_space<hbm>>
      tpu.wait_indirect_dma semaphore(%arg7 : memref<!tpu.dma_semaphore, #tpu.memory_space<semaphore_mem>>) src(%dma_wait3A_226 : memref<100000xf32, #tpu.memory_space<hbm>>) dst(%dma_wait3A_221 : memref<4096xf32, #tpu.memory_space<vmem>>)
      %dma_wait3A_227 = arith.constant 2 : i32
      %dma_wait3A_228 = arith.constant 0 : i32
      %dma_wait3A_229 = tpu.memref_slice %arg6[%dma_wait3A_227, %dma_wait3A_228] : memref<16x4096xf32, #tpu.memory_space<vmem>> -> memref<1x4096xf32, #tpu.memory_space<vmem>>
      %dma_wait3A_230 = tpu.memref_squeeze %dma_wait3A_229 : memref<1x4096xf32, #tpu.memory_space<vmem>> -> memref<4096xf32, #tpu.memory_space<vmem>>
      %dma_wait3A_231 = arith.constant 0 : i32
      %dma_wait3A_232 = tpu.memref_slice %arg2[%add3A_31, %dma_wait3A_231] : memref<416x100000xf32, #tpu.memory_space<hbm>> -> memref<1x100000xf32, #tpu.memory_space<hbm>>
      %dma_wait3A_233 = tpu.memref_squeeze %dma_wait3A_232 : memref<1x100000xf32, #tpu.memory_space<hbm>> -> memref<100000xf32, #tpu.memory_space<hbm>>
      %dma_wait3A_234 = arith.constant 0 : i32
      %dma_wait3A_235 = tpu.memref_slice %dma_wait3A_233[%dma_wait3A_234] : memref<100000xf32, #tpu.memory_space<hbm>> -> memref<100000xf32, #tpu.memory_space<hbm>>
      tpu.wait_indirect_dma semaphore(%arg7 : memref<!tpu.dma_semaphore, #tpu.memory_space<semaphore_mem>>) src(%dma_wait3A_235 : memref<100000xf32, #tpu.memory_space<hbm>>) dst(%dma_wait3A_230 : memref<4096xf32, #tpu.memory_space<vmem>>)
      %dma_wait3A_236 = arith.constant 3 : i32
      %dma_wait3A_237 = arith.constant 0 : i32
      %dma_wait3A_238 = tpu.memref_slice %arg6[%dma_wait3A_236, %dma_wait3A_237] : memref<16x4096xf32, #tpu.memory_space<vmem>> -> memref<1x4096xf32, #tpu.memory_space<vmem>>
      %dma_wait3A_239 = tpu.memref_squeeze %dma_wait3A_238 : memref<1x4096xf32, #tpu.memory_space<vmem>> -> memref<4096xf32, #tpu.memory_space<vmem>>
      %dma_wait3A_240 = arith.constant 0 : i32
      %dma_wait3A_241 = tpu.memref_slice %arg2[%add3A_44, %dma_wait3A_240] : memref<416x100000xf32, #tpu.memory_space<hbm>> -> memref<1x100000xf32, #tpu.memory_space<hbm>>
      %dma_wait3A_242 = tpu.memref_squeeze %dma_wait3A_241 : memref<1x100000xf32, #tpu.memory_space<hbm>> -> memref<100000xf32, #tpu.memory_space<hbm>>
      %dma_wait3A_243 = arith.constant 0 : i32
      %dma_wait3A_244 = tpu.memref_slice %dma_wait3A_242[%dma_wait3A_243] : memref<100000xf32, #tpu.memory_space<hbm>> -> memref<100000xf32, #tpu.memory_space<hbm>>
      tpu.wait_indirect_dma semaphore(%arg7 : memref<!tpu.dma_semaphore, #tpu.memory_space<semaphore_mem>>) src(%dma_wait3A_244 : memref<100000xf32, #tpu.memory_space<hbm>>) dst(%dma_wait3A_239 : memref<4096xf32, #tpu.memory_space<vmem>>)
      %dma_wait3A_245 = arith.constant 4 : i32
      %dma_wait3A_246 = arith.constant 0 : i32
      %dma_wait3A_247 = tpu.memref_slice %arg6[%dma_wait3A_245, %dma_wait3A_246] : memref<16x4096xf32, #tpu.memory_space<vmem>> -> memref<1x4096xf32, #tpu.memory_space<vmem>>
      %dma_wait3A_248 = tpu.memref_squeeze %dma_wait3A_247 : memref<1x4096xf32, #tpu.memory_space<vmem>> -> memref<4096xf32, #tpu.memory_space<vmem>>
      %dma_wait3A_249 = arith.constant 0 : i32
      %dma_wait3A_250 = tpu.memref_slice %arg2[%add3A_57, %dma_wait3A_249] : memref<416x100000xf32, #tpu.memory_space<hbm>> -> memref<1x100000xf32, #tpu.memory_space<hbm>>
      %dma_wait3A_251 = tpu.memref_squeeze %dma_wait3A_250 : memref<1x100000xf32, #tpu.memory_space<hbm>> -> memref<100000xf32, #tpu.memory_space<hbm>>
      %dma_wait3A_252 = arith.constant 0 : i32
      %dma_wait3A_253 = tpu.memref_slice %dma_wait3A_251[%dma_wait3A_252] : memref<100000xf32, #tpu.memory_space<hbm>> -> memref<100000xf32, #tpu.memory_space<hbm>>
      tpu.wait_indirect_dma semaphore(%arg7 : memref<!tpu.dma_semaphore, #tpu.memory_space<semaphore_mem>>) src(%dma_wait3A_253 : memref<100000xf32, #tpu.memory_space<hbm>>) dst(%dma_wait3A_248 : memref<4096xf32, #tpu.memory_space<vmem>>)
      %dma_wait3A_254 = arith.constant 5 : i32
      %dma_wait3A_255 = arith.constant 0 : i32
      %dma_wait3A_256 = tpu.memref_slice %arg6[%dma_wait3A_254, %dma_wait3A_255] : memref<16x4096xf32, #tpu.memory_space<vmem>> -> memref<1x4096xf32, #tpu.memory_space<vmem>>
      %dma_wait3A_257 = tpu.memref_squeeze %dma_wait3A_256 : memref<1x4096xf32, #tpu.memory_space<vmem>> -> memref<4096xf32, #tpu.memory_space<vmem>>
      %dma_wait3A_258 = arith.constant 0 : i32
      %dma_wait3A_259 = tpu.memref_slice %arg2[%add3A_70, %dma_wait3A_258] : memref<416x100000xf32, #tpu.memory_space<hbm>> -> memref<1x100000xf32, #tpu.memory_space<hbm>>
      %dma_wait3A_260 = tpu.memref_squeeze %dma_wait3A_259 : memref<1x100000xf32, #tpu.memory_space<hbm>> -> memref<100000xf32, #tpu.memory_space<hbm>>
      %dma_wait3A_261 = arith.constant 0 : i32
      %dma_wait3A_262 = tpu.memref_slice %dma_wait3A_260[%dma_wait3A_261] : memref<100000xf32, #tpu.memory_space<hbm>> -> memref<100000xf32, #tpu.memory_space<hbm>>
      tpu.wait_indirect_dma semaphore(%arg7 : memref<!tpu.dma_semaphore, #tpu.memory_space<semaphore_mem>>) src(%dma_wait3A_262 : memref<100000xf32, #tpu.memory_space<hbm>>) dst(%dma_wait3A_257 : memref<4096xf32, #tpu.memory_space<vmem>>)
      %dma_wait3A_263 = arith.constant 6 : i32
      %dma_wait3A_264 = arith.constant 0 : i32
      %dma_wait3A_265 = tpu.memref_slice %arg6[%dma_wait3A_263, %dma_wait3A_264] : memref<16x4096xf32, #tpu.memory_space<vmem>> -> memref<1x4096xf32, #tpu.memory_space<vmem>>
      %dma_wait3A_266 = tpu.memref_squeeze %dma_wait3A_265 : memref<1x4096xf32, #tpu.memory_space<vmem>> -> memref<4096xf32, #tpu.memory_space<vmem>>
      %dma_wait3A_267 = arith.constant 0 : i32
      %dma_wait3A_268 = tpu.memref_slice %arg2[%add3A_83, %dma_wait3A_267] : memref<416x100000xf32, #tpu.memory_space<hbm>> -> memref<1x100000xf32, #tpu.memory_space<hbm>>
      %dma_wait3A_269 = tpu.memref_squeeze %dma_wait3A_268 : memref<1x100000xf32, #tpu.memory_space<hbm>> -> memref<100000xf32, #tpu.memory_space<hbm>>
      %dma_wait3A_270 = arith.constant 0 : i32
      %dma_wait3A_271 = tpu.memref_slice %dma_wait3A_269[%dma_wait3A_270] : memref<100000xf32, #tpu.memory_space<hbm>> -> memref<100000xf32, #tpu.memory_space<hbm>>
      tpu.wait_indirect_dma semaphore(%arg7 : memref<!tpu.dma_semaphore, #tpu.memory_space<semaphore_mem>>) src(%dma_wait3A_271 : memref<100000xf32, #tpu.memory_space<hbm>>) dst(%dma_wait3A_266 : memref<4096xf32, #tpu.memory_space<vmem>>)
      %dma_wait3A_272 = arith.constant 7 : i32
      %dma_wait3A_273 = arith.constant 0 : i32
      %dma_wait3A_274 = tpu.memref_slice %arg6[%dma_wait3A_272, %dma_wait3A_273] : memref<16x4096xf32, #tpu.memory_space<vmem>> -> memref<1x4096xf32, #tpu.memory_space<vmem>>
      %dma_wait3A_275 = tpu.memref_squeeze %dma_wait3A_274 : memref<1x4096xf32, #tpu.memory_space<vmem>> -> memref<4096xf32, #tpu.memory_space<vmem>>
      %dma_wait3A_276 = arith.constant 0 : i32
      %dma_wait3A_277 = tpu.memref_slice %arg2[%add3A_96, %dma_wait3A_276] : memref<416x100000xf32, #tpu.memory_space<hbm>> -> memref<1x100000xf32, #tpu.memory_space<hbm>>
      %dma_wait3A_278 = tpu.memref_squeeze %dma_wait3A_277 : memref<1x100000xf32, #tpu.memory_space<hbm>> -> memref<100000xf32, #tpu.memory_space<hbm>>
      %dma_wait3A_279 = arith.constant 0 : i32
      %dma_wait3A_280 = tpu.memref_slice %dma_wait3A_278[%dma_wait3A_279] : memref<100000xf32, #tpu.memory_space<hbm>> -> memref<100000xf32, #tpu.memory_space<hbm>>
      tpu.wait_indirect_dma semaphore(%arg7 : memref<!tpu.dma_semaphore, #tpu.memory_space<semaphore_mem>>) src(%dma_wait3A_280 : memref<100000xf32, #tpu.memory_space<hbm>>) dst(%dma_wait3A_275 : memref<4096xf32, #tpu.memory_space<vmem>>)
      %dma_wait3A_281 = arith.constant 8 : i32
      %dma_wait3A_282 = arith.constant 0 : i32
      %dma_wait3A_283 = tpu.memref_slice %arg6[%dma_wait3A_281, %dma_wait3A_282] : memref<16x4096xf32, #tpu.memory_space<vmem>> -> memref<1x4096xf32, #tpu.memory_space<vmem>>
      %dma_wait3A_284 = tpu.memref_squeeze %dma_wait3A_283 : memref<1x4096xf32, #tpu.memory_space<vmem>> -> memref<4096xf32, #tpu.memory_space<vmem>>
      %dma_wait3A_285 = arith.constant 0 : i32
      %dma_wait3A_286 = tpu.memref_slice %arg2[%add3A_109, %dma_wait3A_285] : memref<416x100000xf32, #tpu.memory_space<hbm>> -> memref<1x100000xf32, #tpu.memory_space<hbm>>
      %dma_wait3A_287 = tpu.memref_squeeze %dma_wait3A_286 : memref<1x100000xf32, #tpu.memory_space<hbm>> -> memref<100000xf32, #tpu.memory_space<hbm>>
      %dma_wait3A_288 = arith.constant 0 : i32
      %dma_wait3A_289 = tpu.memref_slice %dma_wait3A_287[%dma_wait3A_288] : memref<100000xf32, #tpu.memory_space<hbm>> -> memref<100000xf32, #tpu.memory_space<hbm>>
      tpu.wait_indirect_dma semaphore(%arg7 : memref<!tpu.dma_semaphore, #tpu.memory_space<semaphore_mem>>) src(%dma_wait3A_289 : memref<100000xf32, #tpu.memory_space<hbm>>) dst(%dma_wait3A_284 : memref<4096xf32, #tpu.memory_space<vmem>>)
      %dma_wait3A_290 = arith.constant 9 : i32
      %dma_wait3A_291 = arith.constant 0 : i32
      %dma_wait3A_292 = tpu.memref_slice %arg6[%dma_wait3A_290, %dma_wait3A_291] : memref<16x4096xf32, #tpu.memory_space<vmem>> -> memref<1x4096xf32, #tpu.memory_space<vmem>>
      %dma_wait3A_293 = tpu.memref_squeeze %dma_wait3A_292 : memref<1x4096xf32, #tpu.memory_space<vmem>> -> memref<4096xf32, #tpu.memory_space<vmem>>
      %dma_wait3A_294 = arith.constant 0 : i32
      %dma_wait3A_295 = tpu.memref_slice %arg2[%add3A_122, %dma_wait3A_294] : memref<416x100000xf32, #tpu.memory_space<hbm>> -> memref<1x100000xf32, #tpu.memory_space<hbm>>
      %dma_wait3A_296 = tpu.memref_squeeze %dma_wait3A_295 : memref<1x100000xf32, #tpu.memory_space<hbm>> -> memref<100000xf32, #tpu.memory_space<hbm>>
      %dma_wait3A_297 = arith.constant 0 : i32
      %dma_wait3A_298 = tpu.memref_slice %dma_wait3A_296[%dma_wait3A_297] : memref<100000xf32, #tpu.memory_space<hbm>> -> memref<100000xf32, #tpu.memory_space<hbm>>
      tpu.wait_indirect_dma semaphore(%arg7 : memref<!tpu.dma_semaphore, #tpu.memory_space<semaphore_mem>>) src(%dma_wait3A_298 : memref<100000xf32, #tpu.memory_space<hbm>>) dst(%dma_wait3A_293 : memref<4096xf32, #tpu.memory_space<vmem>>)
      %dma_wait3A_299 = arith.constant 10 : i32
      %dma_wait3A_300 = arith.constant 0 : i32
      %dma_wait3A_301 = tpu.memref_slice %arg6[%dma_wait3A_299, %dma_wait3A_300] : memref<16x4096xf32, #tpu.memory_space<vmem>> -> memref<1x4096xf32, #tpu.memory_space<vmem>>
      %dma_wait3A_302 = tpu.memref_squeeze %dma_wait3A_301 : memref<1x4096xf32, #tpu.memory_space<vmem>> -> memref<4096xf32, #tpu.memory_space<vmem>>
      %dma_wait3A_303 = arith.constant 0 : i32
      %dma_wait3A_304 = tpu.memref_slice %arg2[%add3A_135, %dma_wait3A_303] : memref<416x100000xf32, #tpu.memory_space<hbm>> -> memref<1x100000xf32, #tpu.memory_space<hbm>>
      %dma_wait3A_305 = tpu.memref_squeeze %dma_wait3A_304 : memref<1x100000xf32, #tpu.memory_space<hbm>> -> memref<100000xf32, #tpu.memory_space<hbm>>
      %dma_wait3A_306 = arith.constant 0 : i32
      %dma_wait3A_307 = tpu.memref_slice %dma_wait3A_305[%dma_wait3A_306] : memref<100000xf32, #tpu.memory_space<hbm>> -> memref<100000xf32, #tpu.memory_space<hbm>>
      tpu.wait_indirect_dma semaphore(%arg7 : memref<!tpu.dma_semaphore, #tpu.memory_space<semaphore_mem>>) src(%dma_wait3A_307 : memref<100000xf32, #tpu.memory_space<hbm>>) dst(%dma_wait3A_302 : memref<4096xf32, #tpu.memory_space<vmem>>)
      %dma_wait3A_308 = arith.constant 11 : i32
      %dma_wait3A_309 = arith.constant 0 : i32
      %dma_wait3A_310 = tpu.memref_slice %arg6[%dma_wait3A_308, %dma_wait3A_309] : memref<16x4096xf32, #tpu.memory_space<vmem>> -> memref<1x4096xf32, #tpu.memory_space<vmem>>
      %dma_wait3A_311 = tpu.memref_squeeze %dma_wait3A_310 : memref<1x4096xf32, #tpu.memory_space<vmem>> -> memref<4096xf32, #tpu.memory_space<vmem>>
      %dma_wait3A_312 = arith.constant 0 : i32
      %dma_wait3A_313 = tpu.memref_slice %arg2[%add3A_148, %dma_wait3A_312] : memref<416x100000xf32, #tpu.memory_space<hbm>> -> memref<1x100000xf32, #tpu.memory_space<hbm>>
      %dma_wait3A_314 = tpu.memref_squeeze %dma_wait3A_313 : memref<1x100000xf32, #tpu.memory_space<hbm>> -> memref<100000xf32, #tpu.memory_space<hbm>>
      %dma_wait3A_315 = arith.constant 0 : i32
      %dma_wait3A_316 = tpu.memref_slice %dma_wait3A_314[%dma_wait3A_315] : memref<100000xf32, #tpu.memory_space<hbm>> -> memref<100000xf32, #tpu.memory_space<hbm>>
      tpu.wait_indirect_dma semaphore(%arg7 : memref<!tpu.dma_semaphore, #tpu.memory_space<semaphore_mem>>) src(%dma_wait3A_316 : memref<100000xf32, #tpu.memory_space<hbm>>) dst(%dma_wait3A_311 : memref<4096xf32, #tpu.memory_space<vmem>>)
      %dma_wait3A_317 = arith.constant 12 : i32
      %dma_wait3A_318 = arith.constant 0 : i32
      %dma_wait3A_319 = tpu.memref_slice %arg6[%dma_wait3A_317, %dma_wait3A_318] : memref<16x4096xf32, #tpu.memory_space<vmem>> -> memref<1x4096xf32, #tpu.memory_space<vmem>>
      %dma_wait3A_320 = tpu.memref_squeeze %dma_wait3A_319 : memref<1x4096xf32, #tpu.memory_space<vmem>> -> memref<4096xf32, #tpu.memory_space<vmem>>
      %dma_wait3A_321 = arith.constant 0 : i32
      %dma_wait3A_322 = tpu.memref_slice %arg2[%add3A_161, %dma_wait3A_321] : memref<416x100000xf32, #tpu.memory_space<hbm>> -> memref<1x100000xf32, #tpu.memory_space<hbm>>
      %dma_wait3A_323 = tpu.memref_squeeze %dma_wait3A_322 : memref<1x100000xf32, #tpu.memory_space<hbm>> -> memref<100000xf32, #tpu.memory_space<hbm>>
      %dma_wait3A_324 = arith.constant 0 : i32
      %dma_wait3A_325 = tpu.memref_slice %dma_wait3A_323[%dma_wait3A_324] : memref<100000xf32, #tpu.memory_space<hbm>> -> memref<100000xf32, #tpu.memory_space<hbm>>
      tpu.wait_indirect_dma semaphore(%arg7 : memref<!tpu.dma_semaphore, #tpu.memory_space<semaphore_mem>>) src(%dma_wait3A_325 : memref<100000xf32, #tpu.memory_space<hbm>>) dst(%dma_wait3A_320 : memref<4096xf32, #tpu.memory_space<vmem>>)
      %dma_wait3A_326 = arith.constant 13 : i32
      %dma_wait3A_327 = arith.constant 0 : i32
      %dma_wait3A_328 = tpu.memref_slice %arg6[%dma_wait3A_326, %dma_wait3A_327] : memref<16x4096xf32, #tpu.memory_space<vmem>> -> memref<1x4096xf32, #tpu.memory_space<vmem>>
      %dma_wait3A_329 = tpu.memref_squeeze %dma_wait3A_328 : memref<1x4096xf32, #tpu.memory_space<vmem>> -> memref<4096xf32, #tpu.memory_space<vmem>>
      %dma_wait3A_330 = arith.constant 0 : i32
      %dma_wait3A_331 = tpu.memref_slice %arg2[%add3A_174, %dma_wait3A_330] : memref<416x100000xf32, #tpu.memory_space<hbm>> -> memref<1x100000xf32, #tpu.memory_space<hbm>>
      %dma_wait3A_332 = tpu.memref_squeeze %dma_wait3A_331 : memref<1x100000xf32, #tpu.memory_space<hbm>> -> memref<100000xf32, #tpu.memory_space<hbm>>
      %dma_wait3A_333 = arith.constant 0 : i32
      %dma_wait3A_334 = tpu.memref_slice %dma_wait3A_332[%dma_wait3A_333] : memref<100000xf32, #tpu.memory_space<hbm>> -> memref<100000xf32, #tpu.memory_space<hbm>>
      tpu.wait_indirect_dma semaphore(%arg7 : memref<!tpu.dma_semaphore, #tpu.memory_space<semaphore_mem>>) src(%dma_wait3A_334 : memref<100000xf32, #tpu.memory_space<hbm>>) dst(%dma_wait3A_329 : memref<4096xf32, #tpu.memory_space<vmem>>)
      %dma_wait3A_335 = arith.constant 14 : i32
      %dma_wait3A_336 = arith.constant 0 : i32
      %dma_wait3A_337 = tpu.memref_slice %arg6[%dma_wait3A_335, %dma_wait3A_336] : memref<16x4096xf32, #tpu.memory_space<vmem>> -> memref<1x4096xf32, #tpu.memory_space<vmem>>
      %dma_wait3A_338 = tpu.memref_squeeze %dma_wait3A_337 : memref<1x4096xf32, #tpu.memory_space<vmem>> -> memref<4096xf32, #tpu.memory_space<vmem>>
      %dma_wait3A_339 = arith.constant 0 : i32
      %dma_wait3A_340 = tpu.memref_slice %arg2[%add3A_187, %dma_wait3A_339] : memref<416x100000xf32, #tpu.memory_space<hbm>> -> memref<1x100000xf32, #tpu.memory_space<hbm>>
      %dma_wait3A_341 = tpu.memref_squeeze %dma_wait3A_340 : memref<1x100000xf32, #tpu.memory_space<hbm>> -> memref<100000xf32, #tpu.memory_space<hbm>>
      %dma_wait3A_342 = arith.constant 0 : i32
      %dma_wait3A_343 = tpu.memref_slice %dma_wait3A_341[%dma_wait3A_342] : memref<100000xf32, #tpu.memory_space<hbm>> -> memref<100000xf32, #tpu.memory_space<hbm>>
      tpu.wait_indirect_dma semaphore(%arg7 : memref<!tpu.dma_semaphore, #tpu.memory_space<semaphore_mem>>) src(%dma_wait3A_343 : memref<100000xf32, #tpu.memory_space<hbm>>) dst(%dma_wait3A_338 : memref<4096xf32, #tpu.memory_space<vmem>>)
      %dma_wait3A_344 = arith.constant 15 : i32
      %dma_wait3A_345 = arith.constant 0 : i32
      %dma_wait3A_346 = tpu.memref_slice %arg6[%dma_wait3A_344, %dma_wait3A_345] : memref<16x4096xf32, #tpu.memory_space<vmem>> -> memref<1x4096xf32, #tpu.memory_space<vmem>>
      %dma_wait3A_347 = tpu.memref_squeeze %dma_wait3A_346 : memref<1x4096xf32, #tpu.memory_space<vmem>> -> memref<4096xf32, #tpu.memory_space<vmem>>
      %dma_wait3A_348 = arith.constant 0 : i32
      %dma_wait3A_349 = tpu.memref_slice %arg2[%add3A_200, %dma_wait3A_348] : memref<416x100000xf32, #tpu.memory_space<hbm>> -> memref<1x100000xf32, #tpu.memory_space<hbm>>
      %dma_wait3A_350 = tpu.memref_squeeze %dma_wait3A_349 : memref<1x100000xf32, #tpu.memory_space<hbm>> -> memref<100000xf32, #tpu.memory_space<hbm>>
      %dma_wait3A_351 = arith.constant 0 : i32
      %dma_wait3A_352 = tpu.memref_slice %dma_wait3A_350[%dma_wait3A_351] : memref<100000xf32, #tpu.memory_space<hbm>> -> memref<100000xf32, #tpu.memory_space<hbm>>
      tpu.wait_indirect_dma semaphore(%arg7 : memref<!tpu.dma_semaphore, #tpu.memory_space<semaphore_mem>>) src(%dma_wait3A_352 : memref<100000xf32, #tpu.memory_space<hbm>>) dst(%dma_wait3A_347 : memref<4096xf32, #tpu.memory_space<vmem>>)
      "tpu.region"() ({
        %run_scoped3A = tpu.sem_alloc : memref<!tpu.dma_semaphore, #tpu.memory_space<semaphore_mem>>
        %dma_start3A_353 = arith.constant 0 : i32
        %dma_start3A_354 = arith.constant 0 : i32
        %dma_start3A_355 = tpu.memref_slice %arg4[%add3A, %dma_start3A_353, %dma_start3A_354] : memref<26x16x4096xf32, #tpu.memory_space<hbm>> -> memref<1x16x4096xf32, #tpu.memory_space<hbm>>
        %dma_start3A_356 = tpu.memref_squeeze %dma_start3A_355 : memref<1x16x4096xf32, #tpu.memory_space<hbm>> -> memref<16x4096xf32, #tpu.memory_space<hbm>>
        %dma_start3A_357 = arith.constant 0 : i32
        %dma_start3A_358 = arith.constant 0 : i32
        %dma_start3A_359 = tpu.memref_slice %arg4[%add3A, %dma_start3A_357, %dma_start3A_358] : memref<26x16x4096xf32, #tpu.memory_space<hbm>> -> memref<1x16x4096xf32, #tpu.memory_space<hbm>>
        %dma_start3A_360 = tpu.memref_squeeze %dma_start3A_359 : memref<1x16x4096xf32, #tpu.memory_space<hbm>> -> memref<16x4096xf32, #tpu.memory_space<hbm>>
        tpu.enqueue_dma source(%arg6 : memref<16x4096xf32, #tpu.memory_space<vmem>>) target(%dma_start3A_360 : memref<16x4096xf32, #tpu.memory_space<hbm>>) target_semaphore(%run_scoped3A : memref<!tpu.dma_semaphore, #tpu.memory_space<semaphore_mem>>)
        %dma_wait3A_361 = arith.constant 0 : i32
        %dma_wait3A_362 = arith.constant 0 : i32
        %dma_wait3A_363 = tpu.memref_slice %arg4[%add3A, %dma_wait3A_361, %dma_wait3A_362] : memref<26x16x4096xf32, #tpu.memory_space<hbm>> -> memref<1x16x4096xf32, #tpu.memory_space<hbm>>
        %dma_wait3A_364 = tpu.memref_squeeze %dma_wait3A_363 : memref<1x16x4096xf32, #tpu.memory_space<hbm>> -> memref<16x4096xf32, #tpu.memory_space<hbm>>
        %dma_wait3A_365 = arith.constant 0 : i32
        %dma_wait3A_366 = arith.constant 0 : i32
        %dma_wait3A_367 = tpu.memref_slice %arg4[%add3A, %dma_wait3A_365, %dma_wait3A_366] : memref<26x16x4096xf32, #tpu.memory_space<hbm>> -> memref<1x16x4096xf32, #tpu.memory_space<hbm>>
        %dma_wait3A_368 = tpu.memref_squeeze %dma_wait3A_367 : memref<1x16x4096xf32, #tpu.memory_space<hbm>> -> memref<16x4096xf32, #tpu.memory_space<hbm>>
        tpu.wait_dma2 semaphore(%run_scoped3A : memref<!tpu.dma_semaphore, #tpu.memory_space<semaphore_mem>>) src(%arg6 : memref<16x4096xf32, #tpu.memory_space<vmem>>) dst(%dma_wait3A_368 : memref<16x4096xf32, #tpu.memory_space<hbm>>)
        tpu.yield
      }) : () -> ()
    } else {
    }
    return
  }
}

module attributes {stable_mosaic.version = 14 : i64} {
  func.func @_fwfm_body(%arg0: memref<26x16x4096xf32, #tpu.memory_space<vmem>>, %arg1: memref<26x26xf32, #tpu.memory_space<vmem>>, %arg2: memref<26x16xf32, #tpu.memory_space<vmem>>, %arg3: memref<1x4096xf32, #tpu.memory_space<vmem>>) attributes {dimension_semantics = [], scalar_prefetch = 0 : i64, scratch_operands = 0 : i64, tpu.core_type = #tpu.core_type<tc>} {
    %get3A = arith.constant 0 : index
    %get3A_0 = arith.constant 0 : index
    %get3A_1 = vector.load %arg1[%get3A, %get3A_0] : memref<26x26xf32, #tpu.memory_space<vmem>>, vector<26x26xf32>
    %broadcast_in_dim3A = arith.constant 0.000000e+00 : f32
    %broadcast_in_dim3A_2 = vector.broadcast %broadcast_in_dim3A : f32 to vector<1x4096xf32>
    %get3A_3 = arith.constant 0 : index
    %get3A_4 = arith.constant 0 : index
    %get3A_5 = arith.constant 0 : index
    %get3A_6 = vector.load %arg0[%get3A_3, %get3A_4, %get3A_5] : memref<26x16x4096xf32, #tpu.memory_space<vmem>>, vector<26x1x4096xf32>
    %get3A_7 = vector.shape_cast %get3A_6 : vector<26x1x4096xf32> to vector<26x4096xf32>
    %dot_general3A = arith.constant dense<0.000000e+00> : vector<26x4096xf32>
    %dot_general3A_8 = tpu.matmul %get3A_1, %get3A_7, %dot_general3A {dimension_numbers = #tpu.dot_dimension_numbers<[1], [0], [0], [1], [0, 0, 1, 1], [], []>, transpose_lhs_hint = false} : vector<26x26xf32>, vector<26x4096xf32>, vector<26x4096xf32> -> vector<26x4096xf32>
    %get3A_9 = arith.constant 0 : index
    %get3A_10 = arith.constant 0 : index
    %get3A_11 = vector.load %arg2[%get3A_9, %get3A_10] : memref<26x16xf32, #tpu.memory_space<vmem>>, vector<26x1xf32>
    %get3A_12 = vector.shape_cast %get3A_11 : vector<26x1xf32> to vector<26xf32>
    %broadcast_in_dim3A_13 = vector.shape_cast %get3A_12 : vector<26xf32> to vector<26x1xf32>
    %add3A = vector.broadcast %broadcast_in_dim3A_13 : vector<26x1xf32> to vector<26x4096xf32>
    %add3A_14 = arith.addf %dot_general3A_8, %add3A : vector<26x4096xf32>
    %mul3A = arith.mulf %get3A_7, %add3A_14 : vector<26x4096xf32>
    %reduce_sum3A = arith.constant dense<0.000000e+00> : vector<4096xf32>
    %reduce_sum3A_15 = vector.multi_reduction <add>, %mul3A, %reduce_sum3A [0] : vector<26x4096xf32> to vector<4096xf32>
    %broadcast_in_dim3A_16 = vector.shape_cast %reduce_sum3A_15 : vector<4096xf32> to vector<1x4096xf32>
    %add3A_17 = arith.addf %broadcast_in_dim3A_2, %broadcast_in_dim3A_16 : vector<1x4096xf32>
    %get3A_18 = arith.constant 0 : index
    %get3A_19 = arith.constant 1 : index
    %get3A_20 = arith.constant 0 : index
    %get3A_21 = vector.load %arg0[%get3A_18, %get3A_19, %get3A_20] : memref<26x16x4096xf32, #tpu.memory_space<vmem>>, vector<26x1x4096xf32>
    %get3A_22 = vector.shape_cast %get3A_21 : vector<26x1x4096xf32> to vector<26x4096xf32>
    %dot_general3A_23 = arith.constant dense<0.000000e+00> : vector<26x4096xf32>
    %dot_general3A_24 = tpu.matmul %get3A_1, %get3A_22, %dot_general3A_23 {dimension_numbers = #tpu.dot_dimension_numbers<[1], [0], [0], [1], [0, 0, 1, 1], [], []>, transpose_lhs_hint = false} : vector<26x26xf32>, vector<26x4096xf32>, vector<26x4096xf32> -> vector<26x4096xf32>
    %get3A_25 = arith.constant 0 : index
    %get3A_26 = arith.constant 1 : index
    %get3A_27 = vector.load %arg2[%get3A_25, %get3A_26] : memref<26x16xf32, #tpu.memory_space<vmem>>, vector<26x1xf32>
    %get3A_28 = vector.shape_cast %get3A_27 : vector<26x1xf32> to vector<26xf32>
    %broadcast_in_dim3A_29 = vector.shape_cast %get3A_28 : vector<26xf32> to vector<26x1xf32>
    %add3A_30 = vector.broadcast %broadcast_in_dim3A_29 : vector<26x1xf32> to vector<26x4096xf32>
    %add3A_31 = arith.addf %dot_general3A_24, %add3A_30 : vector<26x4096xf32>
    %mul3A_32 = arith.mulf %get3A_22, %add3A_31 : vector<26x4096xf32>
    %reduce_sum3A_33 = arith.constant dense<0.000000e+00> : vector<4096xf32>
    %reduce_sum3A_34 = vector.multi_reduction <add>, %mul3A_32, %reduce_sum3A_33 [0] : vector<26x4096xf32> to vector<4096xf32>
    %broadcast_in_dim3A_35 = vector.shape_cast %reduce_sum3A_34 : vector<4096xf32> to vector<1x4096xf32>
    %add3A_36 = arith.addf %add3A_17, %broadcast_in_dim3A_35 : vector<1x4096xf32>
    %get3A_37 = arith.constant 0 : index
    %get3A_38 = arith.constant 2 : index
    %get3A_39 = arith.constant 0 : index
    %get3A_40 = vector.load %arg0[%get3A_37, %get3A_38, %get3A_39] : memref<26x16x4096xf32, #tpu.memory_space<vmem>>, vector<26x1x4096xf32>
    %get3A_41 = vector.shape_cast %get3A_40 : vector<26x1x4096xf32> to vector<26x4096xf32>
    %dot_general3A_42 = arith.constant dense<0.000000e+00> : vector<26x4096xf32>
    %dot_general3A_43 = tpu.matmul %get3A_1, %get3A_41, %dot_general3A_42 {dimension_numbers = #tpu.dot_dimension_numbers<[1], [0], [0], [1], [0, 0, 1, 1], [], []>, transpose_lhs_hint = false} : vector<26x26xf32>, vector<26x4096xf32>, vector<26x4096xf32> -> vector<26x4096xf32>
    %get3A_44 = arith.constant 0 : index
    %get3A_45 = arith.constant 2 : index
    %get3A_46 = vector.load %arg2[%get3A_44, %get3A_45] : memref<26x16xf32, #tpu.memory_space<vmem>>, vector<26x1xf32>
    %get3A_47 = vector.shape_cast %get3A_46 : vector<26x1xf32> to vector<26xf32>
    %broadcast_in_dim3A_48 = vector.shape_cast %get3A_47 : vector<26xf32> to vector<26x1xf32>
    %add3A_49 = vector.broadcast %broadcast_in_dim3A_48 : vector<26x1xf32> to vector<26x4096xf32>
    %add3A_50 = arith.addf %dot_general3A_43, %add3A_49 : vector<26x4096xf32>
    %mul3A_51 = arith.mulf %get3A_41, %add3A_50 : vector<26x4096xf32>
    %reduce_sum3A_52 = arith.constant dense<0.000000e+00> : vector<4096xf32>
    %reduce_sum3A_53 = vector.multi_reduction <add>, %mul3A_51, %reduce_sum3A_52 [0] : vector<26x4096xf32> to vector<4096xf32>
    %broadcast_in_dim3A_54 = vector.shape_cast %reduce_sum3A_53 : vector<4096xf32> to vector<1x4096xf32>
    %add3A_55 = arith.addf %add3A_36, %broadcast_in_dim3A_54 : vector<1x4096xf32>
    %get3A_56 = arith.constant 0 : index
    %get3A_57 = arith.constant 3 : index
    %get3A_58 = arith.constant 0 : index
    %get3A_59 = vector.load %arg0[%get3A_56, %get3A_57, %get3A_58] : memref<26x16x4096xf32, #tpu.memory_space<vmem>>, vector<26x1x4096xf32>
    %get3A_60 = vector.shape_cast %get3A_59 : vector<26x1x4096xf32> to vector<26x4096xf32>
    %dot_general3A_61 = arith.constant dense<0.000000e+00> : vector<26x4096xf32>
    %dot_general3A_62 = tpu.matmul %get3A_1, %get3A_60, %dot_general3A_61 {dimension_numbers = #tpu.dot_dimension_numbers<[1], [0], [0], [1], [0, 0, 1, 1], [], []>, transpose_lhs_hint = false} : vector<26x26xf32>, vector<26x4096xf32>, vector<26x4096xf32> -> vector<26x4096xf32>
    %get3A_63 = arith.constant 0 : index
    %get3A_64 = arith.constant 3 : index
    %get3A_65 = vector.load %arg2[%get3A_63, %get3A_64] : memref<26x16xf32, #tpu.memory_space<vmem>>, vector<26x1xf32>
    %get3A_66 = vector.shape_cast %get3A_65 : vector<26x1xf32> to vector<26xf32>
    %broadcast_in_dim3A_67 = vector.shape_cast %get3A_66 : vector<26xf32> to vector<26x1xf32>
    %add3A_68 = vector.broadcast %broadcast_in_dim3A_67 : vector<26x1xf32> to vector<26x4096xf32>
    %add3A_69 = arith.addf %dot_general3A_62, %add3A_68 : vector<26x4096xf32>
    %mul3A_70 = arith.mulf %get3A_60, %add3A_69 : vector<26x4096xf32>
    %reduce_sum3A_71 = arith.constant dense<0.000000e+00> : vector<4096xf32>
    %reduce_sum3A_72 = vector.multi_reduction <add>, %mul3A_70, %reduce_sum3A_71 [0] : vector<26x4096xf32> to vector<4096xf32>
    %broadcast_in_dim3A_73 = vector.shape_cast %reduce_sum3A_72 : vector<4096xf32> to vector<1x4096xf32>
    %add3A_74 = arith.addf %add3A_55, %broadcast_in_dim3A_73 : vector<1x4096xf32>
    %get3A_75 = arith.constant 0 : index
    %get3A_76 = arith.constant 4 : index
    %get3A_77 = arith.constant 0 : index
    %get3A_78 = vector.load %arg0[%get3A_75, %get3A_76, %get3A_77] : memref<26x16x4096xf32, #tpu.memory_space<vmem>>, vector<26x1x4096xf32>
    %get3A_79 = vector.shape_cast %get3A_78 : vector<26x1x4096xf32> to vector<26x4096xf32>
    %dot_general3A_80 = arith.constant dense<0.000000e+00> : vector<26x4096xf32>
    %dot_general3A_81 = tpu.matmul %get3A_1, %get3A_79, %dot_general3A_80 {dimension_numbers = #tpu.dot_dimension_numbers<[1], [0], [0], [1], [0, 0, 1, 1], [], []>, transpose_lhs_hint = false} : vector<26x26xf32>, vector<26x4096xf32>, vector<26x4096xf32> -> vector<26x4096xf32>
    %get3A_82 = arith.constant 0 : index
    %get3A_83 = arith.constant 4 : index
    %get3A_84 = vector.load %arg2[%get3A_82, %get3A_83] : memref<26x16xf32, #tpu.memory_space<vmem>>, vector<26x1xf32>
    %get3A_85 = vector.shape_cast %get3A_84 : vector<26x1xf32> to vector<26xf32>
    %broadcast_in_dim3A_86 = vector.shape_cast %get3A_85 : vector<26xf32> to vector<26x1xf32>
    %add3A_87 = vector.broadcast %broadcast_in_dim3A_86 : vector<26x1xf32> to vector<26x4096xf32>
    %add3A_88 = arith.addf %dot_general3A_81, %add3A_87 : vector<26x4096xf32>
    %mul3A_89 = arith.mulf %get3A_79, %add3A_88 : vector<26x4096xf32>
    %reduce_sum3A_90 = arith.constant dense<0.000000e+00> : vector<4096xf32>
    %reduce_sum3A_91 = vector.multi_reduction <add>, %mul3A_89, %reduce_sum3A_90 [0] : vector<26x4096xf32> to vector<4096xf32>
    %broadcast_in_dim3A_92 = vector.shape_cast %reduce_sum3A_91 : vector<4096xf32> to vector<1x4096xf32>
    %add3A_93 = arith.addf %add3A_74, %broadcast_in_dim3A_92 : vector<1x4096xf32>
    %get3A_94 = arith.constant 0 : index
    %get3A_95 = arith.constant 5 : index
    %get3A_96 = arith.constant 0 : index
    %get3A_97 = vector.load %arg0[%get3A_94, %get3A_95, %get3A_96] : memref<26x16x4096xf32, #tpu.memory_space<vmem>>, vector<26x1x4096xf32>
    %get3A_98 = vector.shape_cast %get3A_97 : vector<26x1x4096xf32> to vector<26x4096xf32>
    %dot_general3A_99 = arith.constant dense<0.000000e+00> : vector<26x4096xf32>
    %dot_general3A_100 = tpu.matmul %get3A_1, %get3A_98, %dot_general3A_99 {dimension_numbers = #tpu.dot_dimension_numbers<[1], [0], [0], [1], [0, 0, 1, 1], [], []>, transpose_lhs_hint = false} : vector<26x26xf32>, vector<26x4096xf32>, vector<26x4096xf32> -> vector<26x4096xf32>
    %get3A_101 = arith.constant 0 : index
    %get3A_102 = arith.constant 5 : index
    %get3A_103 = vector.load %arg2[%get3A_101, %get3A_102] : memref<26x16xf32, #tpu.memory_space<vmem>>, vector<26x1xf32>
    %get3A_104 = vector.shape_cast %get3A_103 : vector<26x1xf32> to vector<26xf32>
    %broadcast_in_dim3A_105 = vector.shape_cast %get3A_104 : vector<26xf32> to vector<26x1xf32>
    %add3A_106 = vector.broadcast %broadcast_in_dim3A_105 : vector<26x1xf32> to vector<26x4096xf32>
    %add3A_107 = arith.addf %dot_general3A_100, %add3A_106 : vector<26x4096xf32>
    %mul3A_108 = arith.mulf %get3A_98, %add3A_107 : vector<26x4096xf32>
    %reduce_sum3A_109 = arith.constant dense<0.000000e+00> : vector<4096xf32>
    %reduce_sum3A_110 = vector.multi_reduction <add>, %mul3A_108, %reduce_sum3A_109 [0] : vector<26x4096xf32> to vector<4096xf32>
    %broadcast_in_dim3A_111 = vector.shape_cast %reduce_sum3A_110 : vector<4096xf32> to vector<1x4096xf32>
    %add3A_112 = arith.addf %add3A_93, %broadcast_in_dim3A_111 : vector<1x4096xf32>
    %get3A_113 = arith.constant 0 : index
    %get3A_114 = arith.constant 6 : index
    %get3A_115 = arith.constant 0 : index
    %get3A_116 = vector.load %arg0[%get3A_113, %get3A_114, %get3A_115] : memref<26x16x4096xf32, #tpu.memory_space<vmem>>, vector<26x1x4096xf32>
    %get3A_117 = vector.shape_cast %get3A_116 : vector<26x1x4096xf32> to vector<26x4096xf32>
    %dot_general3A_118 = arith.constant dense<0.000000e+00> : vector<26x4096xf32>
    %dot_general3A_119 = tpu.matmul %get3A_1, %get3A_117, %dot_general3A_118 {dimension_numbers = #tpu.dot_dimension_numbers<[1], [0], [0], [1], [0, 0, 1, 1], [], []>, transpose_lhs_hint = false} : vector<26x26xf32>, vector<26x4096xf32>, vector<26x4096xf32> -> vector<26x4096xf32>
    %get3A_120 = arith.constant 0 : index
    %get3A_121 = arith.constant 6 : index
    %get3A_122 = vector.load %arg2[%get3A_120, %get3A_121] : memref<26x16xf32, #tpu.memory_space<vmem>>, vector<26x1xf32>
    %get3A_123 = vector.shape_cast %get3A_122 : vector<26x1xf32> to vector<26xf32>
    %broadcast_in_dim3A_124 = vector.shape_cast %get3A_123 : vector<26xf32> to vector<26x1xf32>
    %add3A_125 = vector.broadcast %broadcast_in_dim3A_124 : vector<26x1xf32> to vector<26x4096xf32>
    %add3A_126 = arith.addf %dot_general3A_119, %add3A_125 : vector<26x4096xf32>
    %mul3A_127 = arith.mulf %get3A_117, %add3A_126 : vector<26x4096xf32>
    %reduce_sum3A_128 = arith.constant dense<0.000000e+00> : vector<4096xf32>
    %reduce_sum3A_129 = vector.multi_reduction <add>, %mul3A_127, %reduce_sum3A_128 [0] : vector<26x4096xf32> to vector<4096xf32>
    %broadcast_in_dim3A_130 = vector.shape_cast %reduce_sum3A_129 : vector<4096xf32> to vector<1x4096xf32>
    %add3A_131 = arith.addf %add3A_112, %broadcast_in_dim3A_130 : vector<1x4096xf32>
    %get3A_132 = arith.constant 0 : index
    %get3A_133 = arith.constant 7 : index
    %get3A_134 = arith.constant 0 : index
    %get3A_135 = vector.load %arg0[%get3A_132, %get3A_133, %get3A_134] : memref<26x16x4096xf32, #tpu.memory_space<vmem>>, vector<26x1x4096xf32>
    %get3A_136 = vector.shape_cast %get3A_135 : vector<26x1x4096xf32> to vector<26x4096xf32>
    %dot_general3A_137 = arith.constant dense<0.000000e+00> : vector<26x4096xf32>
    %dot_general3A_138 = tpu.matmul %get3A_1, %get3A_136, %dot_general3A_137 {dimension_numbers = #tpu.dot_dimension_numbers<[1], [0], [0], [1], [0, 0, 1, 1], [], []>, transpose_lhs_hint = false} : vector<26x26xf32>, vector<26x4096xf32>, vector<26x4096xf32> -> vector<26x4096xf32>
    %get3A_139 = arith.constant 0 : index
    %get3A_140 = arith.constant 7 : index
    %get3A_141 = vector.load %arg2[%get3A_139, %get3A_140] : memref<26x16xf32, #tpu.memory_space<vmem>>, vector<26x1xf32>
    %get3A_142 = vector.shape_cast %get3A_141 : vector<26x1xf32> to vector<26xf32>
    %broadcast_in_dim3A_143 = vector.shape_cast %get3A_142 : vector<26xf32> to vector<26x1xf32>
    %add3A_144 = vector.broadcast %broadcast_in_dim3A_143 : vector<26x1xf32> to vector<26x4096xf32>
    %add3A_145 = arith.addf %dot_general3A_138, %add3A_144 : vector<26x4096xf32>
    %mul3A_146 = arith.mulf %get3A_136, %add3A_145 : vector<26x4096xf32>
    %reduce_sum3A_147 = arith.constant dense<0.000000e+00> : vector<4096xf32>
    %reduce_sum3A_148 = vector.multi_reduction <add>, %mul3A_146, %reduce_sum3A_147 [0] : vector<26x4096xf32> to vector<4096xf32>
    %broadcast_in_dim3A_149 = vector.shape_cast %reduce_sum3A_148 : vector<4096xf32> to vector<1x4096xf32>
    %add3A_150 = arith.addf %add3A_131, %broadcast_in_dim3A_149 : vector<1x4096xf32>
    %get3A_151 = arith.constant 0 : index
    %get3A_152 = arith.constant 8 : index
    %get3A_153 = arith.constant 0 : index
    %get3A_154 = vector.load %arg0[%get3A_151, %get3A_152, %get3A_153] : memref<26x16x4096xf32, #tpu.memory_space<vmem>>, vector<26x1x4096xf32>
    %get3A_155 = vector.shape_cast %get3A_154 : vector<26x1x4096xf32> to vector<26x4096xf32>
    %dot_general3A_156 = arith.constant dense<0.000000e+00> : vector<26x4096xf32>
    %dot_general3A_157 = tpu.matmul %get3A_1, %get3A_155, %dot_general3A_156 {dimension_numbers = #tpu.dot_dimension_numbers<[1], [0], [0], [1], [0, 0, 1, 1], [], []>, transpose_lhs_hint = false} : vector<26x26xf32>, vector<26x4096xf32>, vector<26x4096xf32> -> vector<26x4096xf32>
    %get3A_158 = arith.constant 0 : index
    %get3A_159 = arith.constant 8 : index
    %get3A_160 = vector.load %arg2[%get3A_158, %get3A_159] : memref<26x16xf32, #tpu.memory_space<vmem>>, vector<26x1xf32>
    %get3A_161 = vector.shape_cast %get3A_160 : vector<26x1xf32> to vector<26xf32>
    %broadcast_in_dim3A_162 = vector.shape_cast %get3A_161 : vector<26xf32> to vector<26x1xf32>
    %add3A_163 = vector.broadcast %broadcast_in_dim3A_162 : vector<26x1xf32> to vector<26x4096xf32>
    %add3A_164 = arith.addf %dot_general3A_157, %add3A_163 : vector<26x4096xf32>
    %mul3A_165 = arith.mulf %get3A_155, %add3A_164 : vector<26x4096xf32>
    %reduce_sum3A_166 = arith.constant dense<0.000000e+00> : vector<4096xf32>
    %reduce_sum3A_167 = vector.multi_reduction <add>, %mul3A_165, %reduce_sum3A_166 [0] : vector<26x4096xf32> to vector<4096xf32>
    %broadcast_in_dim3A_168 = vector.shape_cast %reduce_sum3A_167 : vector<4096xf32> to vector<1x4096xf32>
    %add3A_169 = arith.addf %add3A_150, %broadcast_in_dim3A_168 : vector<1x4096xf32>
    %get3A_170 = arith.constant 0 : index
    %get3A_171 = arith.constant 9 : index
    %get3A_172 = arith.constant 0 : index
    %get3A_173 = vector.load %arg0[%get3A_170, %get3A_171, %get3A_172] : memref<26x16x4096xf32, #tpu.memory_space<vmem>>, vector<26x1x4096xf32>
    %get3A_174 = vector.shape_cast %get3A_173 : vector<26x1x4096xf32> to vector<26x4096xf32>
    %dot_general3A_175 = arith.constant dense<0.000000e+00> : vector<26x4096xf32>
    %dot_general3A_176 = tpu.matmul %get3A_1, %get3A_174, %dot_general3A_175 {dimension_numbers = #tpu.dot_dimension_numbers<[1], [0], [0], [1], [0, 0, 1, 1], [], []>, transpose_lhs_hint = false} : vector<26x26xf32>, vector<26x4096xf32>, vector<26x4096xf32> -> vector<26x4096xf32>
    %get3A_177 = arith.constant 0 : index
    %get3A_178 = arith.constant 9 : index
    %get3A_179 = vector.load %arg2[%get3A_177, %get3A_178] : memref<26x16xf32, #tpu.memory_space<vmem>>, vector<26x1xf32>
    %get3A_180 = vector.shape_cast %get3A_179 : vector<26x1xf32> to vector<26xf32>
    %broadcast_in_dim3A_181 = vector.shape_cast %get3A_180 : vector<26xf32> to vector<26x1xf32>
    %add3A_182 = vector.broadcast %broadcast_in_dim3A_181 : vector<26x1xf32> to vector<26x4096xf32>
    %add3A_183 = arith.addf %dot_general3A_176, %add3A_182 : vector<26x4096xf32>
    %mul3A_184 = arith.mulf %get3A_174, %add3A_183 : vector<26x4096xf32>
    %reduce_sum3A_185 = arith.constant dense<0.000000e+00> : vector<4096xf32>
    %reduce_sum3A_186 = vector.multi_reduction <add>, %mul3A_184, %reduce_sum3A_185 [0] : vector<26x4096xf32> to vector<4096xf32>
    %broadcast_in_dim3A_187 = vector.shape_cast %reduce_sum3A_186 : vector<4096xf32> to vector<1x4096xf32>
    %add3A_188 = arith.addf %add3A_169, %broadcast_in_dim3A_187 : vector<1x4096xf32>
    %get3A_189 = arith.constant 0 : index
    %get3A_190 = arith.constant 10 : index
    %get3A_191 = arith.constant 0 : index
    %get3A_192 = vector.load %arg0[%get3A_189, %get3A_190, %get3A_191] : memref<26x16x4096xf32, #tpu.memory_space<vmem>>, vector<26x1x4096xf32>
    %get3A_193 = vector.shape_cast %get3A_192 : vector<26x1x4096xf32> to vector<26x4096xf32>
    %dot_general3A_194 = arith.constant dense<0.000000e+00> : vector<26x4096xf32>
    %dot_general3A_195 = tpu.matmul %get3A_1, %get3A_193, %dot_general3A_194 {dimension_numbers = #tpu.dot_dimension_numbers<[1], [0], [0], [1], [0, 0, 1, 1], [], []>, transpose_lhs_hint = false} : vector<26x26xf32>, vector<26x4096xf32>, vector<26x4096xf32> -> vector<26x4096xf32>
    %get3A_196 = arith.constant 0 : index
    %get3A_197 = arith.constant 10 : index
    %get3A_198 = vector.load %arg2[%get3A_196, %get3A_197] : memref<26x16xf32, #tpu.memory_space<vmem>>, vector<26x1xf32>
    %get3A_199 = vector.shape_cast %get3A_198 : vector<26x1xf32> to vector<26xf32>
    %broadcast_in_dim3A_200 = vector.shape_cast %get3A_199 : vector<26xf32> to vector<26x1xf32>
    %add3A_201 = vector.broadcast %broadcast_in_dim3A_200 : vector<26x1xf32> to vector<26x4096xf32>
    %add3A_202 = arith.addf %dot_general3A_195, %add3A_201 : vector<26x4096xf32>
    %mul3A_203 = arith.mulf %get3A_193, %add3A_202 : vector<26x4096xf32>
    %reduce_sum3A_204 = arith.constant dense<0.000000e+00> : vector<4096xf32>
    %reduce_sum3A_205 = vector.multi_reduction <add>, %mul3A_203, %reduce_sum3A_204 [0] : vector<26x4096xf32> to vector<4096xf32>
    %broadcast_in_dim3A_206 = vector.shape_cast %reduce_sum3A_205 : vector<4096xf32> to vector<1x4096xf32>
    %add3A_207 = arith.addf %add3A_188, %broadcast_in_dim3A_206 : vector<1x4096xf32>
    %get3A_208 = arith.constant 0 : index
    %get3A_209 = arith.constant 11 : index
    %get3A_210 = arith.constant 0 : index
    %get3A_211 = vector.load %arg0[%get3A_208, %get3A_209, %get3A_210] : memref<26x16x4096xf32, #tpu.memory_space<vmem>>, vector<26x1x4096xf32>
    %get3A_212 = vector.shape_cast %get3A_211 : vector<26x1x4096xf32> to vector<26x4096xf32>
    %dot_general3A_213 = arith.constant dense<0.000000e+00> : vector<26x4096xf32>
    %dot_general3A_214 = tpu.matmul %get3A_1, %get3A_212, %dot_general3A_213 {dimension_numbers = #tpu.dot_dimension_numbers<[1], [0], [0], [1], [0, 0, 1, 1], [], []>, transpose_lhs_hint = false} : vector<26x26xf32>, vector<26x4096xf32>, vector<26x4096xf32> -> vector<26x4096xf32>
    %get3A_215 = arith.constant 0 : index
    %get3A_216 = arith.constant 11 : index
    %get3A_217 = vector.load %arg2[%get3A_215, %get3A_216] : memref<26x16xf32, #tpu.memory_space<vmem>>, vector<26x1xf32>
    %get3A_218 = vector.shape_cast %get3A_217 : vector<26x1xf32> to vector<26xf32>
    %broadcast_in_dim3A_219 = vector.shape_cast %get3A_218 : vector<26xf32> to vector<26x1xf32>
    %add3A_220 = vector.broadcast %broadcast_in_dim3A_219 : vector<26x1xf32> to vector<26x4096xf32>
    %add3A_221 = arith.addf %dot_general3A_214, %add3A_220 : vector<26x4096xf32>
    %mul3A_222 = arith.mulf %get3A_212, %add3A_221 : vector<26x4096xf32>
    %reduce_sum3A_223 = arith.constant dense<0.000000e+00> : vector<4096xf32>
    %reduce_sum3A_224 = vector.multi_reduction <add>, %mul3A_222, %reduce_sum3A_223 [0] : vector<26x4096xf32> to vector<4096xf32>
    %broadcast_in_dim3A_225 = vector.shape_cast %reduce_sum3A_224 : vector<4096xf32> to vector<1x4096xf32>
    %add3A_226 = arith.addf %add3A_207, %broadcast_in_dim3A_225 : vector<1x4096xf32>
    %get3A_227 = arith.constant 0 : index
    %get3A_228 = arith.constant 12 : index
    %get3A_229 = arith.constant 0 : index
    %get3A_230 = vector.load %arg0[%get3A_227, %get3A_228, %get3A_229] : memref<26x16x4096xf32, #tpu.memory_space<vmem>>, vector<26x1x4096xf32>
    %get3A_231 = vector.shape_cast %get3A_230 : vector<26x1x4096xf32> to vector<26x4096xf32>
    %dot_general3A_232 = arith.constant dense<0.000000e+00> : vector<26x4096xf32>
    %dot_general3A_233 = tpu.matmul %get3A_1, %get3A_231, %dot_general3A_232 {dimension_numbers = #tpu.dot_dimension_numbers<[1], [0], [0], [1], [0, 0, 1, 1], [], []>, transpose_lhs_hint = false} : vector<26x26xf32>, vector<26x4096xf32>, vector<26x4096xf32> -> vector<26x4096xf32>
    %get3A_234 = arith.constant 0 : index
    %get3A_235 = arith.constant 12 : index
    %get3A_236 = vector.load %arg2[%get3A_234, %get3A_235] : memref<26x16xf32, #tpu.memory_space<vmem>>, vector<26x1xf32>
    %get3A_237 = vector.shape_cast %get3A_236 : vector<26x1xf32> to vector<26xf32>
    %broadcast_in_dim3A_238 = vector.shape_cast %get3A_237 : vector<26xf32> to vector<26x1xf32>
    %add3A_239 = vector.broadcast %broadcast_in_dim3A_238 : vector<26x1xf32> to vector<26x4096xf32>
    %add3A_240 = arith.addf %dot_general3A_233, %add3A_239 : vector<26x4096xf32>
    %mul3A_241 = arith.mulf %get3A_231, %add3A_240 : vector<26x4096xf32>
    %reduce_sum3A_242 = arith.constant dense<0.000000e+00> : vector<4096xf32>
    %reduce_sum3A_243 = vector.multi_reduction <add>, %mul3A_241, %reduce_sum3A_242 [0] : vector<26x4096xf32> to vector<4096xf32>
    %broadcast_in_dim3A_244 = vector.shape_cast %reduce_sum3A_243 : vector<4096xf32> to vector<1x4096xf32>
    %add3A_245 = arith.addf %add3A_226, %broadcast_in_dim3A_244 : vector<1x4096xf32>
    %get3A_246 = arith.constant 0 : index
    %get3A_247 = arith.constant 13 : index
    %get3A_248 = arith.constant 0 : index
    %get3A_249 = vector.load %arg0[%get3A_246, %get3A_247, %get3A_248] : memref<26x16x4096xf32, #tpu.memory_space<vmem>>, vector<26x1x4096xf32>
    %get3A_250 = vector.shape_cast %get3A_249 : vector<26x1x4096xf32> to vector<26x4096xf32>
    %dot_general3A_251 = arith.constant dense<0.000000e+00> : vector<26x4096xf32>
    %dot_general3A_252 = tpu.matmul %get3A_1, %get3A_250, %dot_general3A_251 {dimension_numbers = #tpu.dot_dimension_numbers<[1], [0], [0], [1], [0, 0, 1, 1], [], []>, transpose_lhs_hint = false} : vector<26x26xf32>, vector<26x4096xf32>, vector<26x4096xf32> -> vector<26x4096xf32>
    %get3A_253 = arith.constant 0 : index
    %get3A_254 = arith.constant 13 : index
    %get3A_255 = vector.load %arg2[%get3A_253, %get3A_254] : memref<26x16xf32, #tpu.memory_space<vmem>>, vector<26x1xf32>
    %get3A_256 = vector.shape_cast %get3A_255 : vector<26x1xf32> to vector<26xf32>
    %broadcast_in_dim3A_257 = vector.shape_cast %get3A_256 : vector<26xf32> to vector<26x1xf32>
    %add3A_258 = vector.broadcast %broadcast_in_dim3A_257 : vector<26x1xf32> to vector<26x4096xf32>
    %add3A_259 = arith.addf %dot_general3A_252, %add3A_258 : vector<26x4096xf32>
    %mul3A_260 = arith.mulf %get3A_250, %add3A_259 : vector<26x4096xf32>
    %reduce_sum3A_261 = arith.constant dense<0.000000e+00> : vector<4096xf32>
    %reduce_sum3A_262 = vector.multi_reduction <add>, %mul3A_260, %reduce_sum3A_261 [0] : vector<26x4096xf32> to vector<4096xf32>
    %broadcast_in_dim3A_263 = vector.shape_cast %reduce_sum3A_262 : vector<4096xf32> to vector<1x4096xf32>
    %add3A_264 = arith.addf %add3A_245, %broadcast_in_dim3A_263 : vector<1x4096xf32>
    %get3A_265 = arith.constant 0 : index
    %get3A_266 = arith.constant 14 : index
    %get3A_267 = arith.constant 0 : index
    %get3A_268 = vector.load %arg0[%get3A_265, %get3A_266, %get3A_267] : memref<26x16x4096xf32, #tpu.memory_space<vmem>>, vector<26x1x4096xf32>
    %get3A_269 = vector.shape_cast %get3A_268 : vector<26x1x4096xf32> to vector<26x4096xf32>
    %dot_general3A_270 = arith.constant dense<0.000000e+00> : vector<26x4096xf32>
    %dot_general3A_271 = tpu.matmul %get3A_1, %get3A_269, %dot_general3A_270 {dimension_numbers = #tpu.dot_dimension_numbers<[1], [0], [0], [1], [0, 0, 1, 1], [], []>, transpose_lhs_hint = false} : vector<26x26xf32>, vector<26x4096xf32>, vector<26x4096xf32> -> vector<26x4096xf32>
    %get3A_272 = arith.constant 0 : index
    %get3A_273 = arith.constant 14 : index
    %get3A_274 = vector.load %arg2[%get3A_272, %get3A_273] : memref<26x16xf32, #tpu.memory_space<vmem>>, vector<26x1xf32>
    %get3A_275 = vector.shape_cast %get3A_274 : vector<26x1xf32> to vector<26xf32>
    %broadcast_in_dim3A_276 = vector.shape_cast %get3A_275 : vector<26xf32> to vector<26x1xf32>
    %add3A_277 = vector.broadcast %broadcast_in_dim3A_276 : vector<26x1xf32> to vector<26x4096xf32>
    %add3A_278 = arith.addf %dot_general3A_271, %add3A_277 : vector<26x4096xf32>
    %mul3A_279 = arith.mulf %get3A_269, %add3A_278 : vector<26x4096xf32>
    %reduce_sum3A_280 = arith.constant dense<0.000000e+00> : vector<4096xf32>
    %reduce_sum3A_281 = vector.multi_reduction <add>, %mul3A_279, %reduce_sum3A_280 [0] : vector<26x4096xf32> to vector<4096xf32>
    %broadcast_in_dim3A_282 = vector.shape_cast %reduce_sum3A_281 : vector<4096xf32> to vector<1x4096xf32>
    %add3A_283 = arith.addf %add3A_264, %broadcast_in_dim3A_282 : vector<1x4096xf32>
    %get3A_284 = arith.constant 0 : index
    %get3A_285 = arith.constant 15 : index
    %get3A_286 = arith.constant 0 : index
    %get3A_287 = vector.load %arg0[%get3A_284, %get3A_285, %get3A_286] : memref<26x16x4096xf32, #tpu.memory_space<vmem>>, vector<26x1x4096xf32>
    %get3A_288 = vector.shape_cast %get3A_287 : vector<26x1x4096xf32> to vector<26x4096xf32>
    %dot_general3A_289 = arith.constant dense<0.000000e+00> : vector<26x4096xf32>
    %dot_general3A_290 = tpu.matmul %get3A_1, %get3A_288, %dot_general3A_289 {dimension_numbers = #tpu.dot_dimension_numbers<[1], [0], [0], [1], [0, 0, 1, 1], [], []>, transpose_lhs_hint = false} : vector<26x26xf32>, vector<26x4096xf32>, vector<26x4096xf32> -> vector<26x4096xf32>
    %get3A_291 = arith.constant 0 : index
    %get3A_292 = arith.constant 15 : index
    %get3A_293 = vector.load %arg2[%get3A_291, %get3A_292] : memref<26x16xf32, #tpu.memory_space<vmem>>, vector<26x1xf32>
    %get3A_294 = vector.shape_cast %get3A_293 : vector<26x1xf32> to vector<26xf32>
    %broadcast_in_dim3A_295 = vector.shape_cast %get3A_294 : vector<26xf32> to vector<26x1xf32>
    %add3A_296 = vector.broadcast %broadcast_in_dim3A_295 : vector<26x1xf32> to vector<26x4096xf32>
    %add3A_297 = arith.addf %dot_general3A_290, %add3A_296 : vector<26x4096xf32>
    %mul3A_298 = arith.mulf %get3A_288, %add3A_297 : vector<26x4096xf32>
    %reduce_sum3A_299 = arith.constant dense<0.000000e+00> : vector<4096xf32>
    %reduce_sum3A_300 = vector.multi_reduction <add>, %mul3A_298, %reduce_sum3A_299 [0] : vector<26x4096xf32> to vector<4096xf32>
    %broadcast_in_dim3A_301 = vector.shape_cast %reduce_sum3A_300 : vector<4096xf32> to vector<1x4096xf32>
    %add3A_302 = arith.addf %add3A_283, %broadcast_in_dim3A_301 : vector<1x4096xf32>
    %logistic3A = arith.negf %add3A_302 : vector<1x4096xf32>
    %logistic3A_303 = math.exp %logistic3A : vector<1x4096xf32>
    %logistic3A_304 = arith.constant 1.000000e+00 : f32
    %logistic3A_305 = vector.broadcast %logistic3A_304 : f32 to vector<1x4096xf32>
    %logistic3A_306 = arith.addf %logistic3A_305, %logistic3A_303 : vector<1x4096xf32>
    %logistic3A_307 = arith.divf %logistic3A_305, %logistic3A_306 : vector<1x4096xf32>
    %swap3A = arith.constant 0 : index
    %swap3A_308 = arith.constant 0 : index
    %swap3A_309 = vector.load %arg3[%swap3A, %swap3A_308] : memref<1x4096xf32, #tpu.memory_space<vmem>>, vector<1x4096xf32>
    tpu.vector_store %arg3[%swap3A, %swap3A_308], %logistic3A_307 {strides = array<i32>} : memref<1x4096xf32, #tpu.memory_space<vmem>>, vector<1x4096xf32>,
    return
  }
}

</mosaic_0001>

<sc_bundles>
// kernel: kernel.4.cloned.1.call-start
scs
__scs_entry_jumppad:
0x0: {  	(pc) =	sbr.rel $0x88, $3  }
0x1: {  	(tag) =	ssettag $0x0;
	lr =	simm.s32 $0x1  }
0x2: {  	[smem:$0x3F9D] =	sst lr;
	_ =	strace $0xD0000000  }
0x3: {  	_ = 	snop  }
0x4: {  	_ = 	snop  }
0x5: {  	_ = 	snop  }
0x6: {  	_ = 	snop  }
0x7: {  	_ = 	snop  }
__scs_overlays_trampoline_lowered:
0x8: {  	[smem:$0x3FAC] =	sst s0  }
0x9: {  	[smem:$0x3FAD] =	sst s1  }
0xa: {  	[smem:$0x3FAE] =	sst s2  }
0xb: {  	[smem:$0x3FAF] =	sst s3  }
0xc: {  	[smem:$0x3FB0] =	sst s4  }
0xd: {  	[smem:$0x3FB1] =	sst s5  }
0xe: {  	[smem:$0x3FB2] =	sst s6  }
0xf: {  	[smem:$0x3FB3] =	sst s7  }
0x10: {  	[smem:$0x3FB4] =	sst s8  }
0x11: {  	[smem:$0x3FB5] =	sst s9;
	s0 =	simm.s32 @!p0 $0x0  }
0x12: {  	s1 =	sld [smem:$0x3F9B];
	s0 =	simm.s32 @p0 $0x1  }
0x13: {  	[smem:$0x3FB6] =	sst s0;
	s0 =	simm.s32 @!p1 $0x0  }
0x14: {  	s2 =	sld [smem:$0x3F9A];
	s0 =	simm.s32 @p1 $0x1  }
0x15: {  	[smem:$0x3FB7] =	sst s0;
	s0 =	simm.s32 @!p2 $0x0  }
0x16: {  	s3 =	sld [smem:$0x3FDB];
	s0 =	simm.s32 @p2 $0x1  }
0x17: {  	s4 =	simm.s32 $0x1BF5;
	[smem:$0x3FB9] =	sst s0  }
0x18: {  	s0 =	sld [smem:$0x3F9C];
	_ =	swait.ge [sflag:s4], $0x0  }
0x19: {  	s7 =	sld [smem:$0x3F9D]  }
0x1a: {  	s8 =	sadd.s32 $0xFFFFE003, lr  }
0x1b: {  	s9 =	sadd.s32 $0xFFFFFEF7, lr;
	s5 =	simm.s32 $0xFFFFFFFF;
	p2 =	slt.u32 s8, $0xFFFFF086  }
0x1c: {  	p1 =	slt.u32 s9, $0xF7A;
	s5 =	simm.s32 @!p2 $0x0  }
0x1d: {  	s5 =	simm.s32 @p1 $0x1;
	p0 =	seq.s32 s7, s2  }
0x1e: {  	s7 =	smul.u32 @!p0 $0xF7A, s2;
	p2 =	seq.s32 @!p0 s5, $0x0  }
0x1f: {  	s9 =	smul.u32 $0xF7A, s1;
	s8 =	simm.s32 @!p0 $0x1BF5;
	p2 =	por !p2, p0  }
0x20: {  	[sflag:s8] =	ssyncset.s32 @!p0 $0xFFFFF086;
	s6 =	sadd.s32 @!p0 s3, s7;
	s7 =	simm.s32 @!p0 $0x108  }
0x21: {  	s3 =	sadd.s32 s3, s9;
	s6 =	sadd.s32 @!p0 $0x88, s6;
	s7 =	simm.s32 @p2 $0x1082  }
0x22: {  	[simem:s7], [sflag:s8] =	dma.local @!p0 [hbm:s6], $0xF7A  }
0x23: {  	s9 =	sor.u32 $0xD0000000, s2;
	s6 =	simm.s32 $0x108;
	_ =	swait.ge @!p0 [sflag:s8], $0x0  }
0x24: {  	s3 =	sadd.s32 $0x88, s3;
	s6 =	simm.s32 @!p1 $0x1082;
	[sflag:s4] =	ssyncset.s32 $0xFFFFF086  }
0x25: {  	[simem:s6], [sflag:s4] =	dma.local [hbm:s3], $0xF7A  }
0x26: {  	[smem:$0x3F9D] =	sst s1;
	(tag) =	ssettag s2;
	_ =	strace s9  }
0x27: {  	s1 =	sld [smem:$0x3FAD]  }
0x28: {  	s2 =	sld [smem:$0x3FAE]  }
0x29: {  	s4 =	sld [smem:$0x3FB0]  }
0x2a: {  	p0 =	seq.s32 s5, $0x0;
	s5 =	sld [smem:$0x3FB1]  }
0x2b: {  	s6 =	sld [smem:$0x3FB2]  }
0x2c: {  	s7 =	sld [smem:$0x3FB3]  }
0x2d: {  	s3 =	simm.s32 $0x108;
	s8 =	sld [smem:$0x3FB4]  }
0x2e: {  	s3 =	simm.s32 @!p0 $0x1082;
	s9 =	sld [smem:$0x3FB5]  }
0x2f: {  	lr =	sadd.s32 s0, s3;
	s0 =	sld [smem:$0x3FAC]  }
0x30: {  	s3 =	sld [smem:$0x3FAF]  }
0x31: {  	[smem:$0x3FB8] =	sst s10  }
0x32: {  	s10 =	sld [smem:$0x3FB6];
	_ =	sdelay $0x3  }
0x33: {  	p0 =	seq.s32 s10, $0x1;
	s10 =	sld [smem:$0x3FB8];
	_ =	sdelay $0x3  }
0x34: {  	[smem:$0x3FB8] =	sst s10  }
0x35: {  	s10 =	sld [smem:$0x3FB7];
	_ =	sdelay $0x3  }
0x36: {  	p1 =	seq.s32 s10, $0x1;
	s10 =	sld [smem:$0x3FB8];
	_ =	sdelay $0x3  }
0x37: {  	[smem:$0x3FB8] =	sst s10  }
0x38: {  	s10 =	sld [smem:$0x3FB9]  }
0x39: {  	_ = 	snop;
	(pc) =	sbr.ind lr, $3  }
0x3a: {  	_ = 	snop  }
0x3b: {  	_ = 	snop  }
0x3c: {  	p2 =	seq.s32 s10, $0x1;
	s10 =	sld [smem:$0x3FB8]  }
0x3d: {  	_ =	shalt  }
0x3e: {  	_ =	shalt  }
0x3f: {  	_ =	shalt  }
0x40: {  	_ =	shalt  }
0x41: {  	_ =	shalt  }
0x42: {  	_ =	shalt  }
0x43: {  	_ =	shalt  }
0x44: {  	_ =	shalt  }
0x45: {  	_ =	shalt  }
0x46: {  	_ =	shalt  }
0x47: {  	_ =	shalt  }
0x48: {  	_ =	shalt  }
0x49: {  	_ =	shalt  }
0x4a: {  	_ =	shalt  }
0x4b: {  	_ =	shalt  }
0x4c: {  	_ =	shalt  }
0x4d: {  	_ =	shalt  }
0x4e: {  	_ =	shalt  }
0x4f: {  	_ =	shalt  }
0x50: {  	_ =	shalt  }
0x51: {  	_ =	shalt  }
0x52: {  	_ =	shalt  }
0x53: {  	_ =	shalt  }
0x54: {  	_ =	shalt  }
0x55: {  	_ =	shalt  }
0x56: {  	_ =	shalt  }
0x57: {  	_ =	shalt  }
0x58: {  	_ =	shalt  }
0x59: {  	_ =	shalt  }
0x5a: {  	_ =	shalt  }
0x5b: {  	_ =	shalt  }
0x5c: {  	_ =	shalt  }
0x5d: {  	_ =	shalt  }
0x5e: {  	_ =	shalt  }
0x5f: {  	_ =	shalt  }
0x60: {  	_ =	shalt  }
0x61: {  	_ =	shalt  }
0x62: {  	_ =	shalt  }
0x63: {  	_ =	shalt  }
0x64: {  	_ =	shalt  }
0x65: {  	_ =	shalt  }
0x66: {  	_ =	shalt  }
0x67: {  	_ =	shalt  }
0x68: {  	_ =	shalt  }
0x69: {  	_ =	shalt  }
0x6a: {  	_ =	shalt  }
0x6b: {  	_ =	shalt  }
0x6c: {  	_ =	shalt  }
0x6d: {  	_ =	shalt  }
0x6e: {  	_ =	shalt  }
0x6f: {  	_ =	shalt  }
0x70: {  	_ =	shalt  }
0x71: {  	_ =	shalt  }
0x72: {  	_ =	shalt  }
0x73: {  	_ =	shalt  }
0x74: {  	_ =	shalt  }
0x75: {  	_ =	shalt  }
0x76: {  	_ =	shalt  }
0x77: {  	_ =	shalt  }
0x78: {  	_ =	shalt  }
0x79: {  	_ =	shalt  }
0x7a: {  	_ =	shalt  }
0x7b: {  	_ =	shalt  }
0x7c: {  	_ =	shalt  }
0x7d: {  	_ =	shalt  }
0x7e: {  	_ =	shalt  }
0x7f: {  	_ =	shalt  }
0x80: {  	_ =	shalt  }
0x81: {  	_ =	shalt  }
0x82: {  	_ =	shalt  }
0x83: {  	_ =	shalt  }
0x84: {  	_ =	shalt  }
0x85: {  	_ =	shalt  }
0x86: {  	_ =	shalt  }
0x87: {  	_ =	shalt  }
.Lfunc_end0:
.L_simem_size_0:
called_computation_lowered:
.L_overlay_start_0:
0x88: {  	s2 =	sld [smem:$0x3FD9]  }
0x89: {  	s3 =	sld [smem:$0x3FFE];
	_ =	sdelay $0x1  }
0x8a: {  	s1 =	srdreg.scid  }
0x8b: {  	s0 =	sand.u32 $0x1, s1  }
0x8c: {  	s16 =	sshll.u32 s0, $0xA;
	s2 =	sadd.s32 s3, s2  }
0x8d: {  	s2 =	sadd.s32 s2, s16  }
0x8e: {  	[smem:$0x3FC4] =	sst s2  }
0x8f: {  	_ = 	snop  }
0x90: {  	(tm) =	ssettm $0x1  }
0x91: {  	s17 =	sld [smem:$0x3FFB];
	_ =	sdelay $0x3  }
0x92: {  	_ =	strace s17  }
0x93: {  	s2 =	sld [smem:$0x3FFC];
	_ =	sdelay $0x3  }
0x94: {  	_ =	strace s2  }
0x95: {  	s2 =	sld [smem:$0x3FFD];
	_ =	sdelay $0x3  }
0x96: {  	_ =	strace s2  }
0x97: {  	_ =	strace $0x8FFFFFFF  }
0x98: {  	s18 =	sld [smem:$0x3FDB];
	_ =	sdelay $0x1  }
0x99: {  	s19 =	simm.s32 $_scs_section_size  }
0x9a: {  	s4 =	simm.s32 $_size__tile_overlayer_lowered;
	s5 =	simm.s32 $_tile_overlayer_lowered  }
0x9b: {  	s22 =	simm.s32 $0x1BFF;
	s21 =	sshll.u32 s5, $0x1;
	s2 =	sadd.s32 s19, s18  }
0x9c: {  	s6 =	simm.s32 $0x0;
	s20 =	sshll.u32 s4, $0x1;
	s4 =	sadd.s32 s21, s2  }
0x9d: {  	[timem:s6], [sflag:s22] =	dma.local [hbm:s4], s20  }
0x9e: {  	_ =	swait.ge [sflag:s22], s20  }
0x9f: {  	s3 =	ssub.s32 $0x0, s20;
	[sflag:s22] =	ssyncset.done $0x0  }
0xa0: {  	[sflag:s22] =	ssyncadd.s32 s3;
	_ =	sdelay $0x1  }
0xa1: {  	s23 =	simm.s32 $0x1B8B  }
0xa2: {  	_ =	swait.ge [sflag:s23], $0x1  }
0xa3: {  	[sflag:s23] =	ssyncset.done $0x0  }
0xa4: {  	s25 =	simm.s32 $0x1B8E;
	s24 =	sld [smem:$0x3FFE];
	[sflag:s23] =	ssyncadd.s32 $0xFFFFFFFF  }
0xa5: {  	s26 =	simm.s32 $execute0_lowered;
	[smem:$0x3FD2] =	sst s25  }
0xa6: {  	s4 =	sshll.u32 s26, $0x1;
	_ =	strace $0x80000046;
	[dreg:$0x1] =	wrdreg $0xFFFFFFFF  }
0xa7: {  	s28 =	simm.s32 $_size_execute0_lowered;
	s2 =	sadd.s32 s2, s4;
	[dreg:$0x0] =	wrdreg $0x0  }
0xa8: {  	s4 =	sshll.u32 s28, $0x1;
	[dreg:$0x2] =	wrdreg s2  }
0xa9: {  	[dreg:$0x3] =	wrdreg s4  }
0xaa: {  	[dreg:$0x4] =	wrdreg $0xC0  }
0xab: {  	_ =	task [dreg:s6], $0x5FFFF  }
0xac: {  	[dreg:$0x1] =	wrdreg $0xFFFFFFFF  }
0xad: {  	[dreg:$0x0] =	wrdreg $0x60  }
0xae: {  	[dreg:$0x2] =	wrdreg s24  }
0xaf: {  	[dreg:$0x3] =	wrdreg $0x9  }
0xb0: {  	_ =	task.clear_ibuf [dreg:s6], $0x4FFFF;
	_ =	strace $0x90000046  }
0xb1: {  	s29 =	simm.s32 $0x9;
	_ =	strace $0x80000048  }
0xb2: {  	_ =	swait.ge [sflag:s29], $0x1  }
0xb3: {  	[sflag:s29] =	ssyncadd.s32 $0xFFFFFFFF  }
0xb4: {  	_ =	strace $0x90000048  }
0xb5: {  	_ =	sfence  }
0xb6: {  	s30 =	sld [smem:$0x0];
	_ =	sdelay $0x2  }
0xb7: {  	s31 =	sshll.u32 s1, $0xD;
	s1 =	sshrl.u32 s1, $0x2  }
0xb8: {  	s3 =	sand.u32 $0x4000, s31;
	s1 =	sadd.s32 s1, s30  }
0xb9: {  	s0 =	sor.u32 s3, s0;
	s1 =	sshll.u32 s1, $0x11  }
0xba: {  	s0 =	sor.u32 s1, s0  }
0xbb: {  	s0 =	sadd.s32 $0x8F2B, s0  }
0xbc: {  	[sflag:s0] =	ssyncadd.remote.s32 $0x1  }
0xbd: {  	_ =	sfence.sel $0xFFFF  }
0xbe: {  	[dreg:$0x0] =	wrdreg $0xFFFFFFFF;
	(pc) =	sbr.abs _section_cstart, $3  }
0xbf: {  	[dreg:$0x1] =	wrdreg $0xFFFFFFFF  }
0xc0: {  	_ =	task.clear_ibuf [dreg:s6], $0x2FFFF;
	_ =	strace $0x9FFFFFFF  }
0xc1: {  	(tm) =	ssettm $0x7FFFFFFF  }
tec
execute0_lowered:
.L_overlay_start_1:
0x0: {  	(tag) =	ssettag $0x1  }
0x1: {  	s3 =	stileid.u32  }
0x2: {  	p0 =	sgt.u32 s3, $0xC  }
.Ltmp0:
0x3: {  	_ = 	snop;
	(pc) =	sbr.rel @p0 .LBB2_4-.Ltmp0, $4  }
0x4: {  	_ = 	snop  }
0x5: {  	s5 =	rddreg [dreg:$0x0];
	s2 =	simm.s32 $0x0  }
0x6: {  	[smem:$0x7FF] =	sst s2  }
0x7: {  	s0 =	rddreg [dreg:$0x1];
	_ =	strace $0x80000047  }
0x8: {  	s1 =	srdreg.scid  }
0x9: {  	s15 =	sshll.u32 s3, $0x1;
	s31 =	sand.u32 $0x1, s1  }
0xa: {  	s1 =	sor.u32 s31, s15  }
0xb: {  	s16 =	smul.u32 $0x186A00, s1  }
0xc: {  	s0 =	smov.u32 s5;
	s4 =	smul.u32 $0x30D40, s1  }
0xd: {  	s17 =	sadd.s32 $0xA00, s5;
	s22 =	sadd.s32 $0x4F6400, s0;
	s3 =	sshrl.u32 s16, $0x3  }
0xe: {  	s25 =	sshll.u32 s1, $0x9;
	s4 =	sadd.s32 s17, s4;
	s28 =	sadd.s32 s17, s3  }
0xf: {  	[dreg:$0x2] =	wrdreg s4;
	s4 =	sadd.s32 s22, s25;
	s3 =	sadd.s32 $0x30D4, s28  }
0x10: {  	[tilespmem:s2], [sflag:$0x2] =	stream.linear.gather [hbm4b:s4+s2], $0x1000, $0x38;
	[tilespmem:$0x11000] =	vst v63  }
0x11: {  	s18 =	sadd.s32 $0x61A8, s28;
	[dreg:$0x3] =	wrdreg s3  }
0x12: {  	s19 =	sadd.s32 $0x927C, s28;
	[dreg:$0x4] =	wrdreg s18  }
0x13: {  	s20 =	sadd.s32 $0xC350, s28;
	[dreg:$0x5] =	wrdreg s19  }
0x14: {  	s21 =	sadd.s32 $0xF424, s28;
	[dreg:$0x6] =	wrdreg s20  }
0x15: {  	s23 =	sadd.s32 $0x124F8, s28;
	[dreg:$0x7] =	wrdreg s21  }
0x16: {  	s24 =	sadd.s32 $0x155CC, s28;
	[dreg:$0x8] =	wrdreg s23  }
0x17: {  	[dreg:$0x9] =	wrdreg s24;
	s3 =	simm.s32 $0x2  }
0x18: {  	_ =	swait.ge [sflag:s3], $0x1000  }
0x19: {  	[sflag:s3] =	ssyncset.done $0x0  }
0x1a: {  	s5 =	simm.s32 $0x1000;
	s6 =	rddreg [dreg:$0x2];
	[sflag:s3] =	ssyncadd.s32 $0xFFFFF000  }
0x1b: {  	[tilespmem:s5], [sflag:$0x1] =	stream.indirect.gather [hbm4b:s6+s5], $0x1, s2, s5, $0xb8;
	[tilespmem:$0x11000] =	vst v63  }
0x1c: {  	s26 =	simm.s32 $0x2000;
	s7 =	rddreg [dreg:$0x3]  }
0x1d: {  	[tilespmem:s26], [sflag:$0x1] =	stream.indirect.gather [hbm4b:s7+s5], $0x1, s2, s5, $0xb8;
	[tilespmem:$0x11000] =	vst v63  }
0x1e: {  	s8 =	rddreg [dreg:$0x4];
	s6 =	simm.s32 $0x3000  }
0x1f: {  	[tilespmem:s6], [sflag:$0x1] =	stream.indirect.gather [hbm4b:s8+s5], $0x1, s2, s5, $0xb8;
	[tilespmem:$0x11000] =	vst v63  }
0x20: {  	s9 =	rddreg [dreg:$0x5];
	s8 =	simm.s32 $0x4000  }
0x21: {  	[tilespmem:s8], [sflag:$0x1] =	stream.indirect.gather [hbm4b:s9+s5], $0x1, s2, s5, $0xb8;
	[tilespmem:$0x11000] =	vst v63  }
0x22: {  	s10 =	rddreg [dreg:$0x6];
	s9 =	simm.s32 $0x5000  }
0x23: {  	[tilespmem:s9], [sflag:$0x1] =	stream.indirect.gather [hbm4b:s10+s5], $0x1, s2, s5, $0xb8;
	[tilespmem:$0x11000] =	vst v63  }
0x24: {  	s11 =	rddreg [dreg:$0x7];
	s10 =	simm.s32 $0x6000  }
0x25: {  	[tilespmem:s10], [sflag:$0x1] =	stream.indirect.gather [hbm4b:s11+s5], $0x1, s2, s5, $0xb8;
	[tilespmem:$0x11000] =	vst v63  }
0x26: {  	s12 =	rddreg [dreg:$0x8];
	s11 =	simm.s32 $0x7000  }
0x27: {  	[tilespmem:s11], [sflag:$0x1] =	stream.indirect.gather [hbm4b:s12+s5], $0x1, s2, s5, $0xb8;
	[tilespmem:$0x11000] =	vst v63  }
0x28: {  	s13 =	rddreg [dreg:$0x9];
	s12 =	simm.s32 $0x8000  }
0x29: {  	[tilespmem:s12], [sflag:$0x1] =	stream.indirect.gather [hbm4b:s13+s5], $0x1, s2, s5, $0xb8;
	[tilespmem:$0x11000] =	vst v63  }
0x2a: {  	s14 =	simm.s32 $0x9000;
	s13 =	sadd.s32 $0x186A0, s28  }
0x2b: {  	[tilespmem:s14], [sflag:$0x1] =	stream.indirect.gather [hbm4b:s13+s5], $0x1, s2, s5, $0xb8;
	[tilespmem:$0x11000] =	vst v63  }
0x2c: {  	s16 =	simm.s32 $0xA000;
	s15 =	sadd.s32 $0x1B774, s28  }
0x2d: {  	[tilespmem:s16], [sflag:$0x1] =	stream.indirect.gather [hbm4b:s15+s5], $0x1, s2, s5, $0xb8;
	[tilespmem:$0x11000] =	vst v63  }
0x2e: {  	s17 =	sadd.s32 $0x1E848, s28;
	s18 =	simm.s32 $0xB000  }
0x2f: {  	[tilespmem:s18], [sflag:$0x1] =	stream.indirect.gather [hbm4b:s17+s5], $0x1, s2, s5, $0xb8;
	[tilespmem:$0x11000] =	vst v63  }
0x30: {  	s19 =	sadd.s32 $0x2191C, s28;
	s20 =	simm.s32 $0xC000  }
0x31: {  	[tilespmem:s20], [sflag:$0x1] =	stream.indirect.gather [hbm4b:s19+s5], $0x1, s2, s5, $0xb8;
	[tilespmem:$0x11000] =	vst v63  }
0x32: {  	s22 =	simm.s32 $0xD000;
	s21 =	sadd.s32 $0x249F0, s28  }
0x33: {  	[tilespmem:s22], [sflag:$0x1] =	stream.indirect.gather [hbm4b:s21+s5], $0x1, s2, s5, $0xb8;
	[tilespmem:$0x11000] =	vst v63  }
0x34: {  	s23 =	sadd.s32 $0x27AC4, s28;
	s24 =	simm.s32 $0xE000  }
0x35: {  	[tilespmem:s24], [sflag:$0x1] =	stream.indirect.gather [hbm4b:s23+s5], $0x1, s2, s5, $0xb8;
	[tilespmem:$0x11000] =	vst v63  }
0x36: {  	s25 =	sadd.s32 $0x2AB98, s28;
	s26 =	simm.s32 $0xF000  }
0x37: {  	[tilespmem:s26], [sflag:$0x1] =	stream.indirect.gather [hbm4b:s25+s5], $0x1, s2, s5, $0xb8;
	[tilespmem:$0x11000] =	vst v63  }
0x38: {  	s29 =	simm.s32 $0x10000;
	s30 =	simm.s32 $0x1;
	s28 =	sadd.s32 $0x2DC6C, s28  }
0x39: {  	[tilespmem:s29], [sflag:$0x1] =	stream.indirect.gather [hbm4b:s28+s5], $0x1, s2, s5, $0xb8;
	[tilespmem:$0x11000] =	vst v63  }
0x3a: {  	_ =	swait.ge [sflag:s30], $0x1000  }
0x3b: {  	[sflag:s30] =	ssyncset.done $0x0  }
0x3c: {  	[sflag:s30] =	ssyncadd.s32 $0xFFFFF000  }
0x3d: {  	_ =	swait.ge [sflag:s30], $0x1000  }
0x3e: {  	[sflag:s30] =	ssyncset.done $0x0  }
0x3f: {  	[sflag:s30] =	ssyncadd.s32 $0xFFFFF000  }
0x40: {  	_ =	swait.ge [sflag:s30], $0x1000  }
0x41: {  	[sflag:s30] =	ssyncset.done $0x0  }
0x42: {  	[sflag:s30] =	ssyncadd.s32 $0xFFFFF000  }
0x43: {  	_ =	swait.ge [sflag:s30], $0x1000  }
0x44: {  	[sflag:s30] =	ssyncset.done $0x0  }
0x45: {  	[sflag:s30] =	ssyncadd.s32 $0xFFFFF000  }
0x46: {  	_ =	swait.ge [sflag:s30], $0x1000  }
0x47: {  	[sflag:s30] =	ssyncset.done $0x0  }
0x48: {  	[sflag:s30] =	ssyncadd.s32 $0xFFFFF000  }
0x49: {  	_ =	swait.ge [sflag:s30], $0x1000  }
0x4a: {  	[sflag:s30] =	ssyncset.done $0x0  }
0x4b: {  	[sflag:s30] =	ssyncadd.s32 $0xFFFFF000  }
0x4c: {  	_ =	swait.ge [sflag:s30], $0x1000  }
0x4d: {  	[sflag:s30] =	ssyncset.done $0x0  }
0x4e: {  	[sflag:s30] =	ssyncadd.s32 $0xFFFFF000  }
0x4f: {  	_ =	swait.ge [sflag:s30], $0x1000  }
0x50: {  	[sflag:s30] =	ssyncset.done $0x0  }
0x51: {  	[sflag:s30] =	ssyncadd.s32 $0xFFFFF000  }
0x52: {  	_ =	swait.ge [sflag:s30], $0x1000  }
0x53: {  	[sflag:s30] =	ssyncset.done $0x0  }
0x54: {  	[sflag:s30] =	ssyncadd.s32 $0xFFFFF000  }
0x55: {  	_ =	swait.ge [sflag:s30], $0x1000  }
0x56: {  	[sflag:s30] =	ssyncset.done $0x0  }
0x57: {  	[sflag:s30] =	ssyncadd.s32 $0xFFFFF000  }
0x58: {  	_ =	swait.ge [sflag:s30], $0x1000  }
0x59: {  	[sflag:s30] =	ssyncset.done $0x0  }
0x5a: {  	[sflag:s30] =	ssyncadd.s32 $0xFFFFF000  }
0x5b: {  	_ =	swait.ge [sflag:s30], $0x1000  }
0x5c: {  	[sflag:s30] =	ssyncset.done $0x0  }
0x5d: {  	[sflag:s30] =	ssyncadd.s32 $0xFFFFF000  }
0x5e: {  	_ =	swait.ge [sflag:s30], $0x1000  }
0x5f: {  	[sflag:s30] =	ssyncset.done $0x0  }
0x60: {  	[sflag:s30] =	ssyncadd.s32 $0xFFFFF000  }
0x61: {  	_ =	swait.ge [sflag:s30], $0x1000  }
0x62: {  	[sflag:s30] =	ssyncset.done $0x0  }
0x63: {  	[sflag:s30] =	ssyncadd.s32 $0xFFFFF000  }
0x64: {  	s31 =	ssub.s32 $0x2, s31;
	_ =	swait.ge [sflag:s30], $0x1000  }
0x65: {  	s0 =	sshrl.u32 s31, $0x1;
	[sflag:s30] =	ssyncset.done $0x0  }
0x66: {  	s0 =	ssub.s32 s31, s0;
	[sflag:s30] =	ssyncadd.s32 $0xFFFFF000  }
0x67: {  	s0 =	smax.u32 s0, $0x1;
	_ =	swait.ge [sflag:s30], $0x1000  }
0x68: {  	s1 =	sshll.u32 s1, $0xD;
	p0 =	sne.s32 s0, $0x1;
	s7 =	rddreg [dreg:$0x0]  }
.Ltmp1:
0x69: {  	[sflag:s30] =	ssyncset.done $0x0;
	s1 =	sadd.s32 s1, s7;
	(pc) =	sbr.rel @!p0 .LBB2_3-.Ltmp1, $4  }
0x6a: {  	[sflag:s30] =	ssyncadd.s32 $0xFFFFF000;
	s31 =	sadd.s32 $0x4F9800, s1  }
0x6b: {  	[hbm4b:s31+s2] =	stream.linear.scatter [tilespmem:s5], [sflag:$0x2], $0x10000, $0x38;
	[tilespmem:$0x11000] =	vst v63  }
0x6c: {  	_ =	swait.ge [sflag:s3], $0x10000  }
0x6d: {  	s0 =	sadd.s32 $0xFFFFFFFF, s0;
	[sflag:s3] =	ssyncset.done $0x0  }
.LBB2_2:
0x6e: {  	[sflag:s3] =	ssyncadd.s32 $0xFFFF0000  }
0x6f: {  	[tilespmem:s2], [sflag:$0x2] =	stream.linear.gather [hbm4b:s4+s2], $0x1000, $0x38;
	[tilespmem:$0x11000] =	vst v63  }
0x70: {  	_ =	swait.ge [sflag:s3], $0x1000  }
0x71: {  	[sflag:s3] =	ssyncset.done $0x0  }
0x72: {  	s1 =	rddreg [dreg:$0x2];
	[sflag:s3] =	ssyncadd.s32 $0xFFFFF000  }
0x73: {  	[tilespmem:s5], [sflag:$0x1] =	stream.indirect.gather [hbm4b:s1+s5], $0x1, s2, s5, $0xb8;
	[tilespmem:$0x11000] =	vst v63  }
0x74: {  	s7 =	simm.s32 $0x2000;
	s6 =	rddreg [dreg:$0x3]  }
0x75: {  	[tilespmem:s7], [sflag:$0x1] =	stream.indirect.gather [hbm4b:s6+s5], $0x1, s2, s5, $0xb8;
	[tilespmem:$0x11000] =	vst v63  }
0x76: {  	s1 =	rddreg [dreg:$0x4];
	s7 =	simm.s32 $0x3000  }
0x77: {  	[tilespmem:s7], [sflag:$0x1] =	stream.indirect.gather [hbm4b:s1+s5], $0x1, s2, s5, $0xb8;
	[tilespmem:$0x11000] =	vst v63  }
0x78: {  	s6 =	rddreg [dreg:$0x5]  }
0x79: {  	[tilespmem:s8], [sflag:$0x1] =	stream.indirect.gather [hbm4b:s6+s5], $0x1, s2, s5, $0xb8;
	[tilespmem:$0x11000] =	vst v63  }
0x7a: {  	s1 =	rddreg [dreg:$0x6]  }
0x7b: {  	[tilespmem:s9], [sflag:$0x1] =	stream.indirect.gather [hbm4b:s1+s5], $0x1, s2, s5, $0xb8;
	[tilespmem:$0x11000] =	vst v63  }
0x7c: {  	s7 =	rddreg [dreg:$0x7]  }
0x7d: {  	[tilespmem:s10], [sflag:$0x1] =	stream.indirect.gather [hbm4b:s7+s5], $0x1, s2, s5, $0xb8;
	[tilespmem:$0x11000] =	vst v63  }
0x7e: {  	s1 =	rddreg [dreg:$0x8]  }
0x7f: {  	[tilespmem:s11], [sflag:$0x1] =	stream.indirect.gather [hbm4b:s1+s5], $0x1, s2, s5, $0xb8;
	[tilespmem:$0x11000] =	vst v63  }
0x80: {  	s7 =	rddreg [dreg:$0x9]  }
0x81: {  	[tilespmem:s12], [sflag:$0x1] =	stream.indirect.gather [hbm4b:s7+s5], $0x1, s2, s5, $0xb8;
	[tilespmem:$0x11000] =	vst v63  }
0x82: {  	_ = 	snop  }
0x83: {  	[tilespmem:s14], [sflag:$0x1] =	stream.indirect.gather [hbm4b:s13+s5], $0x1, s2, s5, $0xb8;
	[tilespmem:$0x11000] =	vst v63  }
0x84: {  	_ = 	snop  }
0x85: {  	[tilespmem:s16], [sflag:$0x1] =	stream.indirect.gather [hbm4b:s15+s5], $0x1, s2, s5, $0xb8;
	[tilespmem:$0x11000] =	vst v63  }
0x86: {  	_ = 	snop  }
0x87: {  	[tilespmem:s18], [sflag:$0x1] =	stream.indirect.gather [hbm4b:s17+s5], $0x1, s2, s5, $0xb8;
	[tilespmem:$0x11000] =	vst v63  }
0x88: {  	_ = 	snop  }
0x89: {  	[tilespmem:s20], [sflag:$0x1] =	stream.indirect.gather [hbm4b:s19+s5], $0x1, s2, s5, $0xb8;
	[tilespmem:$0x11000] =	vst v63  }
0x8a: {  	_ = 	snop  }
0x8b: {  	[tilespmem:s22], [sflag:$0x1] =	stream.indirect.gather [hbm4b:s21+s5], $0x1, s2, s5, $0xb8;
	[tilespmem:$0x11000] =	vst v63  }
0x8c: {  	_ = 	snop  }
0x8d: {  	[tilespmem:s24], [sflag:$0x1] =	stream.indirect.gather [hbm4b:s23+s5], $0x1, s2, s5, $0xb8;
	[tilespmem:$0x11000] =	vst v63  }
0x8e: {  	_ = 	snop  }
0x8f: {  	[tilespmem:s26], [sflag:$0x1] =	stream.indirect.gather [hbm4b:s25+s5], $0x1, s2, s5, $0xb8;
	[tilespmem:$0x11000] =	vst v63  }
0x90: {  	_ = 	snop  }
0x91: {  	[tilespmem:s29], [sflag:$0x1] =	stream.indirect.gather [hbm4b:s28+s5], $0x1, s2, s5, $0xb8;
	[tilespmem:$0x11000] =	vst v63  }
0x92: {  	_ =	swait.ge [sflag:s30], $0x1000  }
0x93: {  	[sflag:s30] =	ssyncset.done $0x0  }
0x94: {  	[sflag:s30] =	ssyncadd.s32 $0xFFFFF000  }
0x95: {  	_ =	swait.ge [sflag:s30], $0x1000  }
0x96: {  	[sflag:s30] =	ssyncset.done $0x0  }
0x97: {  	[sflag:s30] =	ssyncadd.s32 $0xFFFFF000  }
0x98: {  	_ =	swait.ge [sflag:s30], $0x1000  }
0x99: {  	[sflag:s30] =	ssyncset.done $0x0  }
0x9a: {  	[sflag:s30] =	ssyncadd.s32 $0xFFFFF000  }
0x9b: {  	_ =	swait.ge [sflag:s30], $0x1000  }
0x9c: {  	[sflag:s30] =	ssyncset.done $0x0  }
0x9d: {  	[sflag:s30] =	ssyncadd.s32 $0xFFFFF000  }
0x9e: {  	_ =	swait.ge [sflag:s30], $0x1000  }
0x9f: {  	[sflag:s30] =	ssyncset.done $0x0  }
0xa0: {  	[sflag:s30] =	ssyncadd.s32 $0xFFFFF000  }
0xa1: {  	_ =	swait.ge [sflag:s30], $0x1000  }
0xa2: {  	[sflag:s30] =	ssyncset.done $0x0  }
0xa3: {  	[sflag:s30] =	ssyncadd.s32 $0xFFFFF000  }
0xa4: {  	_ =	swait.ge [sflag:s30], $0x1000  }
0xa5: {  	[sflag:s30] =	ssyncset.done $0x0  }
0xa6: {  	[sflag:s30] =	ssyncadd.s32 $0xFFFFF000  }
0xa7: {  	_ =	swait.ge [sflag:s30], $0x1000  }
0xa8: {  	[sflag:s30] =	ssyncset.done $0x0  }
0xa9: {  	[sflag:s30] =	ssyncadd.s32 $0xFFFFF000  }
0xaa: {  	_ =	swait.ge [sflag:s30], $0x1000  }
0xab: {  	[sflag:s30] =	ssyncset.done $0x0  }
0xac: {  	[sflag:s30] =	ssyncadd.s32 $0xFFFFF000  }
0xad: {  	_ =	swait.ge [sflag:s30], $0x1000  }
0xae: {  	[sflag:s30] =	ssyncset.done $0x0  }
0xaf: {  	[sflag:s30] =	ssyncadd.s32 $0xFFFFF000  }
0xb0: {  	_ =	swait.ge [sflag:s30], $0x1000  }
0xb1: {  	[sflag:s30] =	ssyncset.done $0x0  }
0xb2: {  	[sflag:s30] =	ssyncadd.s32 $0xFFFFF000  }
0xb3: {  	_ =	swait.ge [sflag:s30], $0x1000  }
0xb4: {  	[sflag:s30] =	ssyncset.done $0x0  }
0xb5: {  	[sflag:s30] =	ssyncadd.s32 $0xFFFFF000  }
0xb6: {  	_ =	swait.ge [sflag:s30], $0x1000  }
0xb7: {  	[sflag:s30] =	ssyncset.done $0x0  }
0xb8: {  	[sflag:s30] =	ssyncadd.s32 $0xFFFFF000  }
0xb9: {  	_ =	swait.ge [sflag:s30], $0x1000  }
0xba: {  	[sflag:s30] =	ssyncset.done $0x0  }
0xbb: {  	[sflag:s30] =	ssyncadd.s32 $0xFFFFF000  }
0xbc: {  	_ =	swait.ge [sflag:s30], $0x1000  }
0xbd: {  	[sflag:s30] =	ssyncset.done $0x0  }
0xbe: {  	[sflag:s30] =	ssyncadd.s32 $0xFFFFF000  }
0xbf: {  	p0 =	sne.s32 s0, $0x1;
	_ =	swait.ge [sflag:s30], $0x1000  }
.Ltmp2:
0xc0: {  	[sflag:s30] =	ssyncset.done $0x0;
	(pc) =	sbr.rel @p0 .LBB2_2-.Ltmp2, $4  }
0xc1: {  	[sflag:s30] =	ssyncadd.s32 $0xFFFFF000  }
0xc2: {  	[hbm4b:s31+s2] =	stream.linear.scatter [tilespmem:s5], [sflag:$0x2], $0x10000, $0x38;
	[tilespmem:$0x11000] =	vst v63  }
0xc3: {  	_ =	swait.ge [sflag:s3], $0x10000  }
0xc4: {  	s0 =	sadd.s32 $0xFFFFFFFF, s0;
	[sflag:s3] =	ssyncset.done $0x0  }
.LBB2_3:
0xc5: {  	[sflag:s3] =	ssyncadd.s32 $0xFFFF0000  }
0xc6: {  	s3 =	stileid.u32;
	s0 =	rddreg [dreg:$0x1]  }
.LBB2_4:
0xc7: {  	_ =	sfence.sel $0x180000  }
0xc8: {  	[bflag:$0x0] =	sbarrier.arrive $0xFFFF  }
0xc9: {  	p0 =	sne.s32 s3, $0x0;
	_ =	strace $0x90000047  }
0xca: {  	s0 =	sadd.s32 @!p0 $0x100000, s0;
	[bflag:$0x2] =	sbarrier.arrive $0xFFFF  }
0xcb: {  	[sflag:s0] =	ssyncadd.tile.s32 @!p0 $0x1;
	_ =	shalt  }
.Lfunc_end2:
_tile_overlayer_lowered:
.L_overlay_start_2:
0xcc: {  	(tag) =	ssettag $0x2  }
0xcd: {  	s0 =	rddreg [dreg:$0x0];
	s2 =	stileid.u32  }
0xce: {  	s1 =	rddreg [dreg:$0x1];
	p0 =	sne.s32 s2, $0x0  }
0xcf: {  	s3 =	rddreg [dreg:$0x2];
	[bflag:$0x3] =	sbarrier.arrive $0xFFFF;
	s2 =	simm.s32 @!p0 $0x1C02  }
0xd0: {  	[timem:s3], [sflag:s2] =	dma.local @!p0 [hbm:s0], s1  }
0xd1: {  	s0 =	simm.s32 @!p0 $0x2  }
0xd2: {  	_ =	swait.ge @!p0 [sflag:s0], s1  }
0xd3: {  	s1 =	ssub.s32 @!p0 $0x0, s1;
	[sflag:s0] =	ssyncset.done @!p0 $0x0  }
0xd4: {  	[sflag:s0] =	ssyncadd.s32 @!p0 s1  }
0xd5: {  	[bflag:$0x3] =	sbarrier.arrive $0xFFFF  }
0xd6: {  	_ =	shalt  }

</sc_bundles>
